<compile_context>
chip_gen: v7x
topology: tpu7x:2x2x1
jax: 0.10.2.dev20260603
libtpu: 0.0.44.dev20260713+nightly
codegen_flags: <defaults>
</compile_context>

<pallas_src>
import functools

import jax
import jax.numpy as jnp
from jax import lax
from jax.experimental import pallas as pl
from jax.experimental.pallas import tpu as pltpu
from jax.experimental.pallas import tpu_sc as plsc

N_NODES = 10000
N_EDGES = 320000
NPAD = 10240
D_HIDDEN = 128
D_OUT_PAD = 48

NC = 2
NS = 16
NW = NC * NS

K_CHUNK = 128
EDGES_PER_WORKER = 10112
E_PAD = NW * EDGES_PER_WORKER
N_CHUNKS = EDGES_PER_WORKER // K_CHUNK
TOT_CHUNKS = E_PAD // K_CHUNK
CH_SUM = 158
CH_MAX = 92

DEG_PER_WORKER = N_EDGES // NW


def _deg_body(dst_hbm, deg_out, dst_v, deg_v):
    cid = lax.axis_index("c")
    sid = lax.axis_index("s")
    wid = sid * NC + cid

    pltpu.sync_copy(dst_hbm.at[pl.ds(wid * DEG_PER_WORKER, DEG_PER_WORKER)],
                    dst_v)

    def zero(i, _):
        deg_v[pl.ds(i * 16, 16)] = jnp.zeros((16,), jnp.float32)
        return _
    lax.fori_loop(0, NPAD // 16, zero, None)

    ones = jnp.ones((16,), jnp.float32)

    def body(i, _):
        idx = dst_v[pl.ds(i * 16, 16)]
        plsc.addupdate_scatter(deg_v, [idx], ones)
        return _
    lax.fori_loop(0, DEG_PER_WORKER // 16, body, None)

    pltpu.sync_copy(deg_v, deg_out.at[wid])


def _sc_deg(dst):
    return pl.kernel(
        _deg_body,
        out_type=jax.ShapeDtypeStruct((NW, NPAD), jnp.float32),
        mesh=plsc.VectorSubcoreMesh(core_axis_name="c", subcore_axis_name="s"),
        scratch_types=[
            pltpu.VMEM((DEG_PER_WORKER,), jnp.int32),
            pltpu.VMEM((NPAD,), jnp.float32),
        ],
        compiler_params=pltpu.CompilerParams(needs_layout_passes=False),
    )(dst)


def _mp_body(d, ch0, ch1, y_hbm, src2_hbm, dst2_hbm, zeros_hbm, out_hbm,
             src_v, dst_v, rows_v, acc_sh, sem):
    cid = lax.axis_index("c")
    sid = lax.axis_index("s")
    wid = sid * NC + cid
    rpt = NPAD // NS

    pltpu.sync_copy(zeros_hbm.at[pl.ds(sid * rpt, rpt)],
                    acc_sh.at[pl.ds(sid * rpt, rpt)])
    start = jnp.where(cid == 0, sid * ch0, NS * ch0 + sid * ch1)
    count = jnp.where(cid == 0, ch0, ch1)
    pltpu.sync_copy(dst2_hbm.at[pl.ds(start, ch0)], dst_v)
    pltpu.sync_copy(src2_hbm.at[pl.ds(start, ch0)], src_v)
    plsc.subcore_barrier()

    def body(i, _):
        pltpu.async_copy(y_hbm.at[src_v.at[i]], rows_v, sem).wait()
        pltpu.sync_copy(rows_v, acc_sh.at[dst_v.at[i]], add=True)
        return _
    lax.fori_loop(0, count, body, None)

    plsc.subcore_barrier()
    pltpu.sync_copy(
        acc_sh.at[pl.ds(sid * rpt, rpt)],
        out_hbm.at[pl.ds(cid * NPAD + sid * rpt, rpt)])


def _sc_mp(y, src, dst2, zeros_nd, d, ch0):
    return pl.kernel(
        functools.partial(_mp_body, d, ch0, CH_SUM - ch0),
        out_type=jax.ShapeDtypeStruct((NC * NPAD, d), jnp.float32),
        mesh=plsc.VectorSubcoreMesh(core_axis_name="c", subcore_axis_name="s"),
        scratch_types=[
            pltpu.VMEM((ch0, K_CHUNK), jnp.int32),
            pltpu.VMEM((ch0, K_CHUNK), jnp.int32),
            pltpu.VMEM((K_CHUNK, d), jnp.float32),
            pltpu.VMEM_SHARED((NPAD, d), jnp.float32),
            pltpu.SemaphoreType.DMA,
        ],
        compiler_params=pltpu.CompilerParams(use_tc_tiling_on_sc=False),
    )(y, src, dst2, zeros_nd)


def _mm1_body(x_ref, w_ref, h_ref):
    h_ref[...] = jnp.dot(x_ref[...], w_ref[...],
                         preferred_element_type=jnp.float32)


def _scale1_body(deg_ref, h_ref, y_ref, dinv_ref):
    deg = jnp.sum(deg_ref[...], axis=0) + 1.0
    dinv = lax.rsqrt(jnp.maximum(deg, 1.0))
    dinv_ref[...] = dinv
    y_ref[...] = h_ref[...] * dinv[:N_NODES, None]


def _mid_body(acc_ref, y1_ref, dinv_ref, w2_ref, y2_ref):
    dinv = dinv_ref[...][:N_NODES, None]
    s = acc_ref[:N_NODES, :] + acc_ref[NPAD:NPAD + N_NODES, :] + y1_ref[...]
    h1 = jnp.maximum(s * dinv, 0.0)
    y2_ref[...] = jnp.dot(h1, w2_ref[...],
                          preferred_element_type=jnp.float32) * dinv


def _final_body(acc_ref, y2_ref, dinv_ref, out_ref):
    dinv = dinv_ref[...][:N_NODES, None]
    s = acc_ref[:N_NODES, :] + acc_ref[NPAD:NPAD + N_NODES, :] + y2_ref[...]
    out_ref[...] = s * dinv


def _tc_call(body, out_shapes, *args):
    return pl.pallas_call(
        body,
        out_shape=out_shapes,
    )(*args)


def kernel(x, edge_index, W1, W2):
    src = edge_index[0]
    dst = edge_index[1]
    pad = E_PAD - N_EDGES
    src_p = jnp.concatenate([src, jnp.zeros((pad,), jnp.int32)])
    dst_p = jnp.concatenate([dst, jnp.full((pad,), N_NODES, jnp.int32)])
    extra = jnp.zeros((NS * CH_SUM + CH_MAX - TOT_CHUNKS, K_CHUNK),
                      jnp.int32)
    src2 = jnp.concatenate([src_p.reshape(-1, K_CHUNK), extra])
    dst2 = jnp.concatenate([dst_p.reshape(-1, K_CHUNK), extra])

    zeros128 = jnp.zeros((NPAD, D_HIDDEN), jnp.float32)
    zeros64 = jnp.zeros((NPAD, D_OUT_PAD), jnp.float32)
    W2p = jnp.pad(W2, ((0, 0), (0, D_OUT_PAD - W2.shape[1])))

    deg_all = _sc_deg(dst)
    h = _tc_call(_mm1_body, jax.ShapeDtypeStruct((N_NODES, D_HIDDEN),
                                                 jnp.float32), x, W1)
    y1, dinv = _tc_call(
        _scale1_body,
        [jax.ShapeDtypeStruct((N_NODES, D_HIDDEN), jnp.float32),
         jax.ShapeDtypeStruct((NPAD,), jnp.float32)],
        deg_all, h)

    acc1 = _sc_mp(y1, src2, dst2, zeros128, D_HIDDEN, 92)
    y2 = _tc_call(_mid_body,
                  jax.ShapeDtypeStruct((N_NODES, D_OUT_PAD), jnp.float32),
                  acc1, y1, dinv, W2p)

    acc2 = _sc_mp(y2, src2, dst2, zeros64, D_OUT_PAD, 92)
    out = _tc_call(_final_body,
                   jax.ShapeDtypeStruct((N_NODES, D_OUT_PAD), jnp.float32),
                   acc2, y2, dinv)
    return out[:, :W2.shape[1]]

# --- scband reference (transcript-rebuilt; emitter-appended) ---
"""Pipeline reference for scband-gcn-13941463843654 (READ-ONLY COPY).

The authoritative reference and input builder live on the scoring server;
editing this copy changes nothing except your own understanding.
"""

import jax, jax.numpy as jnp
import numpy as np

N = 10000
E = 320000
D_IN = 128
D_HID = 128
D_OUT = 40


def setup_inputs(seed: int = 0) -> dict:
    key = jax.random.key(seed)
    k1, k2, k3, k4 = jax.random.split(key, 4)
    x = jax.random.normal(k1, (N, D_IN), dtype=jnp.float32)
    edge_index = jax.random.randint(k2, (2, E), 0, N, dtype=jnp.int32)
    # Glorot-style init for the two GraphConvolution weight matrices
    W1 = jax.random.normal(k3, (D_IN, D_HID), dtype=jnp.float32) * (1.0 / np.sqrt(D_IN))
    W2 = jax.random.normal(k4, (D_HID, D_OUT), dtype=jnp.float32) * (1.0 / np.sqrt(D_HID))
    return {"x": x, "edge_index": edge_index, "W1": W1, "W2": W2}


def reference(x, edge_index, W1, W2):
    # 2-layer Kipf&Welling GCN: out = A_hat @ relu(A_hat @ (X W1)) W2
    # A_hat = D^-1/2 (A + I) D^-1/2 applied via gather + segment_sum.
    src = edge_index[0]
    dst = edge_index[1]
    loop = jnp.arange(N, dtype=src.dtype)
    src = jnp.concatenate([src, loop])
    dst = jnp.concatenate([dst, loop])
    deg = jnp.zeros((N,), dtype=jnp.float32).at[dst].add(1.0)
    dinv = jax.lax.rsqrt(jnp.maximum(deg, 1.0))
    norm = dinv[src] * dinv[dst]  # [E+N]

    # layer 1 (dropout is identity at inference)
    h = x @ W1
    msg = h[src] * norm[:, None]
    h = jax.ops.segment_sum(msg, dst, num_segments=N)
    h = jax.nn.relu(h)

    # layer 2 (linear activation)
    h2 = h @ W2
    msg2 = h2[src] * norm[:, None]
    out = jax.ops.segment_sum(msg2, dst, num_segments=N)
    return out

if __name__ == "__main__":
    import jax
    _d = setup_inputs()
    print(jax.jit(kernel)(*tuple(_d.values())))

</pallas_src>

<mosaic_0001>
#map = affine_map<(d0, d1) -> (0)>
#map1 = affine_map<(d0, d1) -> (0, 0)>
module attributes {stable_mosaic.version = 14 : i64} {
  func.func @_deg_body(%arg0: i32, %arg1: i32, %arg2: memref<320000xi32, #tpu.memory_space<hbm>>, %arg3: memref<32x10240xf32, #tpu.memory_space<hbm>>, %arg4: memref<10000xi32, #tpu.memory_space<vmem>>, %arg5: memref<10240xf32, #tpu.memory_space<vmem>>) attributes {dimension_semantics = [#tpu.dimension_semantics<core_parallel>, #tpu.dimension_semantics<subcore_parallel>], iteration_bounds = array<i64: 2, 16>, scalar_prefetch = 0 : i64, scratch_operands = 2 : i64, tpu.core_type = #tpu.core_type<sc_vector_subcore>, window_params = [{transform_indices = #map}, {transform_indices = #map1}]} {
    %mul3A = arith.constant 2 : i32
    %mul3A_0 = arith.muli %arg1, %mul3A : i32
    %add3A = arith.addi %mul3A_0, %arg0 : i32
    %mul3A_1 = arith.constant 10000 : i32
    %mul3A_2 = arith.muli %add3A, %mul3A_1 : i32
    "tpu.region"() ({
      %run_scoped3A = tpu.sem_alloc : memref<!tpu.dma_semaphore, #tpu.memory_space<semaphore_mem>>
      %dma_start3A = tpu.memref_slice %arg2[%mul3A_2] : memref<320000xi32, #tpu.memory_space<hbm>> -> memref<10000xi32, #tpu.memory_space<hbm>>
      %dma_start3A_13 = tpu.memref_slice %arg2[%mul3A_2] : memref<320000xi32, #tpu.memory_space<hbm>> -> memref<10000xi32, #tpu.memory_space<hbm>>
      tpu.enqueue_dma source(%dma_start3A_13 : memref<10000xi32, #tpu.memory_space<hbm>>) target(%arg4 : memref<10000xi32, #tpu.memory_space<vmem>>) target_semaphore(%run_scoped3A : memref<!tpu.dma_semaphore, #tpu.memory_space<semaphore_mem>>)
      %dma_wait3A = tpu.memref_slice %arg2[%mul3A_2] : memref<320000xi32, #tpu.memory_space<hbm>> -> memref<10000xi32, #tpu.memory_space<hbm>>
      %dma_wait3A_14 = tpu.memref_slice %arg2[%mul3A_2] : memref<320000xi32, #tpu.memory_space<hbm>> -> memref<10000xi32, #tpu.memory_space<hbm>>
      tpu.wait_dma2 semaphore(%run_scoped3A : memref<!tpu.dma_semaphore, #tpu.memory_space<semaphore_mem>>) src(%dma_wait3A_14 : memref<10000xi32, #tpu.memory_space<hbm>>) dst(%arg4 : memref<10000xi32, #tpu.memory_space<vmem>>)
      tpu.yield
    }) : () -> ()
    %scan3A = arith.constant 0 : i32
    %scan3A_3 = arith.constant 640 : i32
    %scan3A_4 = arith.addi %scan3A, %scan3A_3 : i32
    %scan3A_5 = arith.constant 1 : i32
    scf.for %scan3A_13 = %scan3A to %scan3A_4 step %scan3A_5  : i32 {
      %broadcast_in_dim3A_14 = arith.constant 0.000000e+00 : f32
      %broadcast_in_dim3A_15 = vector.broadcast %broadcast_in_dim3A_14 : f32 to vector<16xf32>
      %mul3A_16 = arith.constant 16 : i32
      %mul3A_17 = arith.muli %scan3A_13, %mul3A_16 : i32
      %swap3A = arith.index_cast %mul3A_17 : i32 to index
      %swap3A_18 = tpu.vector_load %arg5[%swap3A] {strides = array<i32>} : memref<10240xf32, #tpu.memory_space<vmem>>, vector<16xf32>,
      tpu.vector_store %arg5[%swap3A], %broadcast_in_dim3A_15 {strides = array<i32>} : memref<10240xf32, #tpu.memory_space<vmem>>, vector<16xf32>,
    }
    %scan3A_6 = arith.constant 640 : i32
    %broadcast_in_dim3A = arith.constant 1.000000e+00 : f32
    %broadcast_in_dim3A_7 = vector.broadcast %broadcast_in_dim3A : f32 to vector<16xf32>
    %scan3A_8 = arith.constant 0 : i32
    %scan3A_9 = arith.constant 625 : i32
    %scan3A_10 = arith.addi %scan3A_8, %scan3A_9 : i32
    %scan3A_11 = arith.constant 1 : i32
    scf.for %scan3A_13 = %scan3A_8 to %scan3A_10 step %scan3A_11  : i32 {
      %mul3A_14 = arith.constant 16 : i32
      %mul3A_15 = arith.muli %scan3A_13, %mul3A_14 : i32
      %get3A = arith.index_cast %mul3A_15 : i32 to index
      %get3A_16 = tpu.vector_load %arg4[%get3A] {strides = array<i32>} : memref<10000xi32, #tpu.memory_space<vmem>>, vector<16xi32>,
      tpu.vector_store_idx %arg5[%get3A_16], %broadcast_in_dim3A_7 {add = true} : memref<10240xf32, #tpu.memory_space<vmem>>[vector<16xi32>], vector<16xf32>,
    }
    %scan3A_12 = arith.constant 625 : i32
    "tpu.region"() ({
      %run_scoped3A = tpu.sem_alloc : memref<!tpu.dma_semaphore, #tpu.memory_space<semaphore_mem>>
      %dma_start3A = arith.constant 0 : i32
      %dma_start3A_13 = tpu.memref_slice %arg3[%add3A, %dma_start3A] : memref<32x10240xf32, #tpu.memory_space<hbm>> -> memref<1x10240xf32, #tpu.memory_space<hbm>>
      %dma_start3A_14 = tpu.memref_squeeze %dma_start3A_13 : memref<1x10240xf32, #tpu.memory_space<hbm>> -> memref<10240xf32, #tpu.memory_space<hbm>>
      %dma_start3A_15 = arith.constant 0 : i32
      %dma_start3A_16 = tpu.memref_slice %arg3[%add3A, %dma_start3A_15] : memref<32x10240xf32, #tpu.memory_space<hbm>> -> memref<1x10240xf32, #tpu.memory_space<hbm>>
      %dma_start3A_17 = tpu.memref_squeeze %dma_start3A_16 : memref<1x10240xf32, #tpu.memory_space<hbm>> -> memref<10240xf32, #tpu.memory_space<hbm>>
      tpu.enqueue_dma source(%arg5 : memref<10240xf32, #tpu.memory_space<vmem>>) target(%dma_start3A_17 : memref<10240xf32, #tpu.memory_space<hbm>>) target_semaphore(%run_scoped3A : memref<!tpu.dma_semaphore, #tpu.memory_space<semaphore_mem>>)
      %dma_wait3A = arith.constant 0 : i32
      %dma_wait3A_18 = tpu.memref_slice %arg3[%add3A, %dma_wait3A] : memref<32x10240xf32, #tpu.memory_space<hbm>> -> memref<1x10240xf32, #tpu.memory_space<hbm>>
      %dma_wait3A_19 = tpu.memref_squeeze %dma_wait3A_18 : memref<1x10240xf32, #tpu.memory_space<hbm>> -> memref<10240xf32, #tpu.memory_space<hbm>>
      %dma_wait3A_20 = arith.constant 0 : i32
      %dma_wait3A_21 = tpu.memref_slice %arg3[%add3A, %dma_wait3A_20] : memref<32x10240xf32, #tpu.memory_space<hbm>> -> memref<1x10240xf32, #tpu.memory_space<hbm>>
      %dma_wait3A_22 = tpu.memref_squeeze %dma_wait3A_21 : memref<1x10240xf32, #tpu.memory_space<hbm>> -> memref<10240xf32, #tpu.memory_space<hbm>>
      tpu.wait_dma2 semaphore(%run_scoped3A : memref<!tpu.dma_semaphore, #tpu.memory_space<semaphore_mem>>) src(%arg5 : memref<10240xf32, #tpu.memory_space<vmem>>) dst(%dma_wait3A_22 : memref<10240xf32, #tpu.memory_space<hbm>>)
      tpu.yield
    }) : () -> ()
    return
  }
}

#map = affine_map<(d0, d1) -> (0, 0)>
module attributes {stable_mosaic.version = 14 : i64} {
  func.func @_mp_body(%arg0: i32, %arg1: i32, %arg2: memref<10000x48xf32, #tpu.memory_space<hbm>>, %arg3: memref<2620x128xi32, #tpu.memory_space<hbm>>, %arg4: memref<2620x128xi32, #tpu.memory_space<hbm>>, %arg5: memref<10240x48xf32, #tpu.memory_space<hbm>>, %arg6: memref<20480x48xf32, #tpu.memory_space<hbm>>, %arg7: memref<92x128xi32, #tpu.memory_space<vmem>>, %arg8: memref<92x128xi32, #tpu.memory_space<vmem>>, %arg9: memref<128x48xf32, #tpu.memory_space<vmem>>, %arg10: memref<10240x48xf32, #tpu.memory_space<vmem_shared>>, %arg11: memref<!tpu.dma_semaphore, #tpu.memory_space<semaphore_mem>>) attributes {dimension_semantics = [#tpu.dimension_semantics<core_parallel>, #tpu.dimension_semantics<subcore_parallel>], iteration_bounds = array<i64: 2, 16>, scalar_prefetch = 0 : i64, scratch_operands = 5 : i64, tpu.core_type = #tpu.core_type<sc_vector_subcore>, window_params = [{transform_indices = #map}, {transform_indices = #map}, {transform_indices = #map}, {transform_indices = #map}, {transform_indices = #map}]} {
    %mul3A = arith.constant 2 : i32
    %mul3A_0 = arith.muli %arg1, %mul3A : i32
    %add3A = arith.addi %mul3A_0, %arg0 : i32
    %mul3A_1 = arith.constant 640 : i32
    %mul3A_2 = arith.muli %arg1, %mul3A_1 : i32
    %mul3A_3 = arith.constant 640 : i32
    %mul3A_4 = arith.muli %arg1, %mul3A_3 : i32
    "tpu.region"() ({
      %run_scoped3A = tpu.sem_alloc : memref<!tpu.dma_semaphore, #tpu.memory_space<semaphore_mem>>
      %dma_start3A = arith.constant 0 : i32
      %dma_start3A_32 = tpu.memref_slice %arg10[%mul3A_4, %dma_start3A] : memref<10240x48xf32, #tpu.memory_space<vmem_shared>> -> memref<640x48xf32, #tpu.memory_space<vmem_shared>>
      %dma_start3A_33 = arith.constant 0 : i32
      %dma_start3A_34 = tpu.memref_slice %arg5[%mul3A_2, %dma_start3A_33] : memref<10240x48xf32, #tpu.memory_space<hbm>> -> memref<640x48xf32, #tpu.memory_space<hbm>>
      tpu.enqueue_dma source(%dma_start3A_34 : memref<640x48xf32, #tpu.memory_space<hbm>>) target(%dma_start3A_32 : memref<640x48xf32, #tpu.memory_space<vmem_shared>>) target_semaphore(%run_scoped3A : memref<!tpu.dma_semaphore, #tpu.memory_space<semaphore_mem>>)
      %dma_wait3A = arith.constant 0 : i32
      %dma_wait3A_35 = tpu.memref_slice %arg10[%mul3A_4, %dma_wait3A] : memref<10240x48xf32, #tpu.memory_space<vmem_shared>> -> memref<640x48xf32, #tpu.memory_space<vmem_shared>>
      %dma_wait3A_36 = arith.constant 0 : i32
      %dma_wait3A_37 = tpu.memref_slice %arg5[%mul3A_2, %dma_wait3A_36] : memref<10240x48xf32, #tpu.memory_space<hbm>> -> memref<640x48xf32, #tpu.memory_space<hbm>>
      tpu.wait_dma2 semaphore(%run_scoped3A : memref<!tpu.dma_semaphore, #tpu.memory_space<semaphore_mem>>) src(%dma_wait3A_37 : memref<640x48xf32, #tpu.memory_space<hbm>>) dst(%dma_wait3A_35 : memref<640x48xf32, #tpu.memory_space<vmem_shared>>)
      tpu.yield
    }) : () -> ()
    %eq3A = arith.constant 0 : i32
    %eq3A_5 = arith.cmpi eq, %arg0, %eq3A : i32
    %mul3A_6 = arith.constant 92 : i32
    %mul3A_7 = arith.muli %arg1, %mul3A_6 : i32
    %mul3A_8 = arith.constant 66 : i32
    %mul3A_9 = arith.muli %arg1, %mul3A_8 : i32
    %add3A_10 = arith.constant 1472 : i32
    %add3A_11 = arith.addi %add3A_10, %mul3A_9 : i32
    %select_n3A = arith.select %eq3A_5, %mul3A_7, %add3A_11 : i32
    %eq3A_12 = arith.constant 0 : i32
    %eq3A_13 = arith.cmpi eq, %arg0, %eq3A_12 : i32
    %jit3A = arith.constant 92 : i32
    %jit3A_14 = arith.constant 66 : i32
    %select_n3A_15 = arith.select %eq3A_13, %jit3A, %jit3A_14 : i32
    "tpu.region"() ({
      %run_scoped3A = tpu.sem_alloc : memref<!tpu.dma_semaphore, #tpu.memory_space<semaphore_mem>>
      %dma_start3A = arith.constant 0 : i32
      %dma_start3A_32 = tpu.memref_slice %arg4[%select_n3A, %dma_start3A] : memref<2620x128xi32, #tpu.memory_space<hbm>> -> memref<92x128xi32, #tpu.memory_space<hbm>>
      %dma_start3A_33 = arith.constant 0 : i32
      %dma_start3A_34 = tpu.memref_slice %arg4[%select_n3A, %dma_start3A_33] : memref<2620x128xi32, #tpu.memory_space<hbm>> -> memref<92x128xi32, #tpu.memory_space<hbm>>
      tpu.enqueue_dma source(%dma_start3A_34 : memref<92x128xi32, #tpu.memory_space<hbm>>) target(%arg8 : memref<92x128xi32, #tpu.memory_space<vmem>>) target_semaphore(%run_scoped3A : memref<!tpu.dma_semaphore, #tpu.memory_space<semaphore_mem>>)
      %dma_wait3A = arith.constant 0 : i32
      %dma_wait3A_35 = tpu.memref_slice %arg4[%select_n3A, %dma_wait3A] : memref<2620x128xi32, #tpu.memory_space<hbm>> -> memref<92x128xi32, #tpu.memory_space<hbm>>
      %dma_wait3A_36 = arith.constant 0 : i32
      %dma_wait3A_37 = tpu.memref_slice %arg4[%select_n3A, %dma_wait3A_36] : memref<2620x128xi32, #tpu.memory_space<hbm>> -> memref<92x128xi32, #tpu.memory_space<hbm>>
      tpu.wait_dma2 semaphore(%run_scoped3A : memref<!tpu.dma_semaphore, #tpu.memory_space<semaphore_mem>>) src(%dma_wait3A_37 : memref<92x128xi32, #tpu.memory_space<hbm>>) dst(%arg8 : memref<92x128xi32, #tpu.memory_space<vmem>>)
      tpu.yield
    }) : () -> ()
    "tpu.region"() ({
      %run_scoped3A = tpu.sem_alloc : memref<!tpu.dma_semaphore, #tpu.memory_space<semaphore_mem>>
      %dma_start3A = arith.constant 0 : i32
      %dma_start3A_32 = tpu.memref_slice %arg3[%select_n3A, %dma_start3A] : memref<2620x128xi32, #tpu.memory_space<hbm>> -> memref<92x128xi32, #tpu.memory_space<hbm>>
      %dma_start3A_33 = arith.constant 0 : i32
      %dma_start3A_34 = tpu.memref_slice %arg3[%select_n3A, %dma_start3A_33] : memref<2620x128xi32, #tpu.memory_space<hbm>> -> memref<92x128xi32, #tpu.memory_space<hbm>>
      tpu.enqueue_dma source(%dma_start3A_34 : memref<92x128xi32, #tpu.memory_space<hbm>>) target(%arg7 : memref<92x128xi32, #tpu.memory_space<vmem>>) target_semaphore(%run_scoped3A : memref<!tpu.dma_semaphore, #tpu.memory_space<semaphore_mem>>)
      %dma_wait3A = arith.constant 0 : i32
      %dma_wait3A_35 = tpu.memref_slice %arg3[%select_n3A, %dma_wait3A] : memref<2620x128xi32, #tpu.memory_space<hbm>> -> memref<92x128xi32, #tpu.memory_space<hbm>>
      %dma_wait3A_36 = arith.constant 0 : i32
      %dma_wait3A_37 = tpu.memref_slice %arg3[%select_n3A, %dma_wait3A_36] : memref<2620x128xi32, #tpu.memory_space<hbm>> -> memref<92x128xi32, #tpu.memory_space<hbm>>
      tpu.wait_dma2 semaphore(%run_scoped3A : memref<!tpu.dma_semaphore, #tpu.memory_space<semaphore_mem>>) src(%dma_wait3A_37 : memref<92x128xi32, #tpu.memory_space<hbm>>) dst(%arg7 : memref<92x128xi32, #tpu.memory_space<vmem>>)
      tpu.yield
    }) : () -> ()
    %barrier3A = arith.constant 0 : index
    tpu.barrier barrier_id(%barrier3A)
    %while3A = arith.constant 0 : i32
    %while3A_16 = arith.subi %select_n3A_15, %while3A : i32
    %while3A_17 = arith.addi %while3A, %while3A_16 : i32
    %while3A_18 = arith.constant 1 : i32
    %while3A_19 = arith.divsi %while3A_16, %while3A_18 : i32
    %while3A_20 = arith.muli %while3A_19, %while3A_18 : i32
    %while3A_21 = arith.addi %while3A, %while3A_20 : i32
    %while3A_22 = arith.constant 1 : i32
    scf.for %while3A_32 = %while3A to %while3A_21 step %while3A_22  : i32 {
      %dma_start3A = arith.constant 0 : i32
      %dma_start3A_33 = tpu.memref_slice %arg7[%while3A_32, %dma_start3A] : memref<92x128xi32, #tpu.memory_space<vmem>> -> memref<1x128xi32, #tpu.memory_space<vmem>>
      %dma_start3A_34 = tpu.memref_squeeze %dma_start3A_33 : memref<1x128xi32, #tpu.memory_space<vmem>> -> memref<128xi32, #tpu.memory_space<vmem>>
      %dma_start3A_35 = arith.constant 0 : i32
      %dma_start3A_36 = arith.constant 0 : i32
      %dma_start3A_37 = tpu.memref_slice %arg2[%dma_start3A_35, %dma_start3A_36] : memref<10000x48xf32, #tpu.memory_space<hbm>> -> memref<10000x48xf32, #tpu.memory_space<hbm>>
      tpu.enqueue_indirect_dma source(%dma_start3A_37 : memref<10000x48xf32, #tpu.memory_space<hbm>>) target(%arg9 : memref<128x48xf32, #tpu.memory_space<vmem>>) offsets(%dma_start3A_34 : memref<128xi32, #tpu.memory_space<vmem>>) semaphore(%arg11 : memref<!tpu.dma_semaphore, #tpu.memory_space<semaphore_mem>>)
      %dma_wait3A = arith.constant 0 : i32
      %dma_wait3A_38 = tpu.memref_slice %arg7[%while3A_32, %dma_wait3A] : memref<92x128xi32, #tpu.memory_space<vmem>> -> memref<1x128xi32, #tpu.memory_space<vmem>>
      %dma_wait3A_39 = tpu.memref_squeeze %dma_wait3A_38 : memref<1x128xi32, #tpu.memory_space<vmem>> -> memref<128xi32, #tpu.memory_space<vmem>>
      %dma_wait3A_40 = arith.constant 0 : i32
      %dma_wait3A_41 = arith.constant 0 : i32
      %dma_wait3A_42 = tpu.memref_slice %arg2[%dma_wait3A_40, %dma_wait3A_41] : memref<10000x48xf32, #tpu.memory_space<hbm>> -> memref<10000x48xf32, #tpu.memory_space<hbm>>
      tpu.wait_indirect_dma semaphore(%arg11 : memref<!tpu.dma_semaphore, #tpu.memory_space<semaphore_mem>>) src(%dma_wait3A_42 : memref<10000x48xf32, #tpu.memory_space<hbm>>) dst(%arg9 : memref<128x48xf32, #tpu.memory_space<vmem>>)
      "tpu.region"() ({
        %run_scoped3A = tpu.sem_alloc : memref<!tpu.dma_semaphore, #tpu.memory_space<semaphore_mem>>
        %dma_start3A_43 = arith.constant 0 : i32
        %dma_start3A_44 = tpu.memref_slice %arg8[%while3A_32, %dma_start3A_43] : memref<92x128xi32, #tpu.memory_space<vmem>> -> memref<1x128xi32, #tpu.memory_space<vmem>>
        %dma_start3A_45 = tpu.memref_squeeze %dma_start3A_44 : memref<1x128xi32, #tpu.memory_space<vmem>> -> memref<128xi32, #tpu.memory_space<vmem>>
        %dma_start3A_46 = arith.constant 0 : i32
        %dma_start3A_47 = arith.constant 0 : i32
        %dma_start3A_48 = tpu.memref_slice %arg10[%dma_start3A_46, %dma_start3A_47] : memref<10240x48xf32, #tpu.memory_space<vmem_shared>> -> memref<10240x48xf32, #tpu.memory_space<vmem_shared>>
        tpu.enqueue_indirect_dma source(%arg9 : memref<128x48xf32, #tpu.memory_space<vmem>>) target(%dma_start3A_48 : memref<10240x48xf32, #tpu.memory_space<vmem_shared>>) offsets(%dma_start3A_45 : memref<128xi32, #tpu.memory_space<vmem>>) semaphore(%run_scoped3A : memref<!tpu.dma_semaphore, #tpu.memory_space<semaphore_mem>>) {add = true}
        %dma_wait3A_49 = arith.constant 0 : i32
        %dma_wait3A_50 = tpu.memref_slice %arg8[%while3A_32, %dma_wait3A_49] : memref<92x128xi32, #tpu.memory_space<vmem>> -> memref<1x128xi32, #tpu.memory_space<vmem>>
        %dma_wait3A_51 = tpu.memref_squeeze %dma_wait3A_50 : memref<1x128xi32, #tpu.memory_space<vmem>> -> memref<128xi32, #tpu.memory_space<vmem>>
        %dma_wait3A_52 = arith.constant 0 : i32
        %dma_wait3A_53 = arith.constant 0 : i32
        %dma_wait3A_54 = tpu.memref_slice %arg10[%dma_wait3A_52, %dma_wait3A_53] : memref<10240x48xf32, #tpu.memory_space<vmem_shared>> -> memref<10240x48xf32, #tpu.memory_space<vmem_shared>>
        tpu.wait_indirect_dma semaphore(%run_scoped3A : memref<!tpu.dma_semaphore, #tpu.memory_space<semaphore_mem>>) src(%arg9 : memref<128x48xf32, #tpu.memory_space<vmem>>) dst(%dma_wait3A_54 : memref<10240x48xf32, #tpu.memory_space<vmem_shared>>)
        tpu.yield
      }) : () -> ()
    }
    %while3A_23 = arith.constant 1 : i32
    scf.for %while3A_32 = %while3A_21 to %while3A_17 step %while3A_23  : i32 {
      %dma_start3A = arith.constant 0 : i32
      %dma_start3A_33 = tpu.memref_slice %arg7[%while3A_32, %dma_start3A] : memref<92x128xi32, #tpu.memory_space<vmem>> -> memref<1x128xi32, #tpu.memory_space<vmem>>
      %dma_start3A_34 = tpu.memref_squeeze %dma_start3A_33 : memref<1x128xi32, #tpu.memory_space<vmem>> -> memref<128xi32, #tpu.memory_space<vmem>>
      %dma_start3A_35 = arith.constant 0 : i32
      %dma_start3A_36 = arith.constant 0 : i32
      %dma_start3A_37 = tpu.memref_slice %arg2[%dma_start3A_35, %dma_start3A_36] : memref<10000x48xf32, #tpu.memory_space<hbm>> -> memref<10000x48xf32, #tpu.memory_space<hbm>>
      tpu.enqueue_indirect_dma source(%dma_start3A_37 : memref<10000x48xf32, #tpu.memory_space<hbm>>) target(%arg9 : memref<128x48xf32, #tpu.memory_space<vmem>>) offsets(%dma_start3A_34 : memref<128xi32, #tpu.memory_space<vmem>>) semaphore(%arg11 : memref<!tpu.dma_semaphore, #tpu.memory_space<semaphore_mem>>)
      %dma_wait3A = arith.constant 0 : i32
      %dma_wait3A_38 = tpu.memref_slice %arg7[%while3A_32, %dma_wait3A] : memref<92x128xi32, #tpu.memory_space<vmem>> -> memref<1x128xi32, #tpu.memory_space<vmem>>
      %dma_wait3A_39 = tpu.memref_squeeze %dma_wait3A_38 : memref<1x128xi32, #tpu.memory_space<vmem>> -> memref<128xi32, #tpu.memory_space<vmem>>
      %dma_wait3A_40 = arith.constant 0 : i32
      %dma_wait3A_41 = arith.constant 0 : i32
      %dma_wait3A_42 = tpu.memref_slice %arg2[%dma_wait3A_40, %dma_wait3A_41] : memref<10000x48xf32, #tpu.memory_space<hbm>> -> memref<10000x48xf32, #tpu.memory_space<hbm>>
      tpu.wait_indirect_dma semaphore(%arg11 : memref<!tpu.dma_semaphore, #tpu.memory_space<semaphore_mem>>) src(%dma_wait3A_42 : memref<10000x48xf32, #tpu.memory_space<hbm>>) dst(%arg9 : memref<128x48xf32, #tpu.memory_space<vmem>>)
      "tpu.region"() ({
        %run_scoped3A = tpu.sem_alloc : memref<!tpu.dma_semaphore, #tpu.memory_space<semaphore_mem>>
        %dma_start3A_43 = arith.constant 0 : i32
        %dma_start3A_44 = tpu.memref_slice %arg8[%while3A_32, %dma_start3A_43] : memref<92x128xi32, #tpu.memory_space<vmem>> -> memref<1x128xi32, #tpu.memory_space<vmem>>
        %dma_start3A_45 = tpu.memref_squeeze %dma_start3A_44 : memref<1x128xi32, #tpu.memory_space<vmem>> -> memref<128xi32, #tpu.memory_space<vmem>>
        %dma_start3A_46 = arith.constant 0 : i32
        %dma_start3A_47 = arith.constant 0 : i32
        %dma_start3A_48 = tpu.memref_slice %arg10[%dma_start3A_46, %dma_start3A_47] : memref<10240x48xf32, #tpu.memory_space<vmem_shared>> -> memref<10240x48xf32, #tpu.memory_space<vmem_shared>>
        tpu.enqueue_indirect_dma source(%arg9 : memref<128x48xf32, #tpu.memory_space<vmem>>) target(%dma_start3A_48 : memref<10240x48xf32, #tpu.memory_space<vmem_shared>>) offsets(%dma_start3A_45 : memref<128xi32, #tpu.memory_space<vmem>>) semaphore(%run_scoped3A : memref<!tpu.dma_semaphore, #tpu.memory_space<semaphore_mem>>) {add = true}
        %dma_wait3A_49 = arith.constant 0 : i32
        %dma_wait3A_50 = tpu.memref_slice %arg8[%while3A_32, %dma_wait3A_49] : memref<92x128xi32, #tpu.memory_space<vmem>> -> memref<1x128xi32, #tpu.memory_space<vmem>>
        %dma_wait3A_51 = tpu.memref_squeeze %dma_wait3A_50 : memref<1x128xi32, #tpu.memory_space<vmem>> -> memref<128xi32, #tpu.memory_space<vmem>>
        %dma_wait3A_52 = arith.constant 0 : i32
        %dma_wait3A_53 = arith.constant 0 : i32
        %dma_wait3A_54 = tpu.memref_slice %arg10[%dma_wait3A_52, %dma_wait3A_53] : memref<10240x48xf32, #tpu.memory_space<vmem_shared>> -> memref<10240x48xf32, #tpu.memory_space<vmem_shared>>
        tpu.wait_indirect_dma semaphore(%run_scoped3A : memref<!tpu.dma_semaphore, #tpu.memory_space<semaphore_mem>>) src(%arg9 : memref<128x48xf32, #tpu.memory_space<vmem>>) dst(%dma_wait3A_54 : memref<10240x48xf32, #tpu.memory_space<vmem_shared>>)
        tpu.yield
      }) : () -> ()
    }
    %barrier3A_24 = arith.constant 0 : index
    tpu.barrier barrier_id(%barrier3A_24)
    %mul3A_25 = arith.constant 640 : i32
    %mul3A_26 = arith.muli %arg1, %mul3A_25 : i32
    %mul3A_27 = arith.constant 10240 : i32
    %mul3A_28 = arith.muli %arg0, %mul3A_27 : i32
    %mul3A_29 = arith.constant 640 : i32
    %mul3A_30 = arith.muli %arg1, %mul3A_29 : i32
    %add3A_31 = arith.addi %mul3A_28, %mul3A_30 : i32
    "tpu.region"() ({
      %run_scoped3A = tpu.sem_alloc : memref<!tpu.dma_semaphore, #tpu.memory_space<semaphore_mem>>
      %dma_start3A = arith.constant 0 : i32
      %dma_start3A_32 = tpu.memref_slice %arg6[%add3A_31, %dma_start3A] : memref<20480x48xf32, #tpu.memory_space<hbm>> -> memref<640x48xf32, #tpu.memory_space<hbm>>
      %dma_start3A_33 = arith.constant 0 : i32
      %dma_start3A_34 = tpu.memref_slice %arg10[%mul3A_26, %dma_start3A_33] : memref<10240x48xf32, #tpu.memory_space<vmem_shared>> -> memref<640x48xf32, #tpu.memory_space<vmem_shared>>
      tpu.enqueue_dma source(%dma_start3A_34 : memref<640x48xf32, #tpu.memory_space<vmem_shared>>) target(%dma_start3A_32 : memref<640x48xf32, #tpu.memory_space<hbm>>) target_semaphore(%run_scoped3A : memref<!tpu.dma_semaphore, #tpu.memory_space<semaphore_mem>>)
      %dma_wait3A = arith.constant 0 : i32
      %dma_wait3A_35 = tpu.memref_slice %arg6[%add3A_31, %dma_wait3A] : memref<20480x48xf32, #tpu.memory_space<hbm>> -> memref<640x48xf32, #tpu.memory_space<hbm>>
      %dma_wait3A_36 = arith.constant 0 : i32
      %dma_wait3A_37 = tpu.memref_slice %arg10[%mul3A_26, %dma_wait3A_36] : memref<10240x48xf32, #tpu.memory_space<vmem_shared>> -> memref<640x48xf32, #tpu.memory_space<vmem_shared>>
      tpu.wait_dma2 semaphore(%run_scoped3A : memref<!tpu.dma_semaphore, #tpu.memory_space<semaphore_mem>>) src(%dma_wait3A_37 : memref<640x48xf32, #tpu.memory_space<vmem_shared>>) dst(%dma_wait3A_35 : memref<640x48xf32, #tpu.memory_space<hbm>>)
      tpu.yield
    }) : () -> ()
    return
  }
}

#map = affine_map<(d0, d1) -> (0, 0)>
module attributes {stable_mosaic.version = 14 : i64} {
  func.func @_mp_body(%arg0: i32, %arg1: i32, %arg2: memref<10000x128xf32, #tpu.memory_space<hbm>>, %arg3: memref<2620x128xi32, #tpu.memory_space<hbm>>, %arg4: memref<2620x128xi32, #tpu.memory_space<hbm>>, %arg5: memref<10240x128xf32, #tpu.memory_space<hbm>>, %arg6: memref<20480x128xf32, #tpu.memory_space<hbm>>, %arg7: memref<92x128xi32, #tpu.memory_space<vmem>>, %arg8: memref<92x128xi32, #tpu.memory_space<vmem>>, %arg9: memref<128x128xf32, #tpu.memory_space<vmem>>, %arg10: memref<10240x128xf32, #tpu.memory_space<vmem_shared>>, %arg11: memref<!tpu.dma_semaphore, #tpu.memory_space<semaphore_mem>>) attributes {dimension_semantics = [#tpu.dimension_semantics<core_parallel>, #tpu.dimension_semantics<subcore_parallel>], iteration_bounds = array<i64: 2, 16>, scalar_prefetch = 0 : i64, scratch_operands = 5 : i64, tpu.core_type = #tpu.core_type<sc_vector_subcore>, window_params = [{transform_indices = #map}, {transform_indices = #map}, {transform_indices = #map}, {transform_indices = #map}, {transform_indices = #map}]} {
    %mul3A = arith.constant 2 : i32
    %mul3A_0 = arith.muli %arg1, %mul3A : i32
    %add3A = arith.addi %mul3A_0, %arg0 : i32
    %mul3A_1 = arith.constant 640 : i32
    %mul3A_2 = arith.muli %arg1, %mul3A_1 : i32
    %mul3A_3 = arith.constant 640 : i32
    %mul3A_4 = arith.muli %arg1, %mul3A_3 : i32
    "tpu.region"() ({
      %run_scoped3A = tpu.sem_alloc : memref<!tpu.dma_semaphore, #tpu.memory_space<semaphore_mem>>
      %dma_start3A = arith.constant 0 : i32
      %dma_start3A_32 = tpu.memref_slice %arg10[%mul3A_4, %dma_start3A] : memref<10240x128xf32, #tpu.memory_space<vmem_shared>> -> memref<640x128xf32, #tpu.memory_space<vmem_shared>>
      %dma_start3A_33 = arith.constant 0 : i32
      %dma_start3A_34 = tpu.memref_slice %arg5[%mul3A_2, %dma_start3A_33] : memref<10240x128xf32, #tpu.memory_space<hbm>> -> memref<640x128xf32, #tpu.memory_space<hbm>>
      tpu.enqueue_dma source(%dma_start3A_34 : memref<640x128xf32, #tpu.memory_space<hbm>>) target(%dma_start3A_32 : memref<640x128xf32, #tpu.memory_space<vmem_shared>>) target_semaphore(%run_scoped3A : memref<!tpu.dma_semaphore, #tpu.memory_space<semaphore_mem>>)
      %dma_wait3A = arith.constant 0 : i32
      %dma_wait3A_35 = tpu.memref_slice %arg10[%mul3A_4, %dma_wait3A] : memref<10240x128xf32, #tpu.memory_space<vmem_shared>> -> memref<640x128xf32, #tpu.memory_space<vmem_shared>>
      %dma_wait3A_36 = arith.constant 0 : i32
      %dma_wait3A_37 = tpu.memref_slice %arg5[%mul3A_2, %dma_wait3A_36] : memref<10240x128xf32, #tpu.memory_space<hbm>> -> memref<640x128xf32, #tpu.memory_space<hbm>>
      tpu.wait_dma2 semaphore(%run_scoped3A : memref<!tpu.dma_semaphore, #tpu.memory_space<semaphore_mem>>) src(%dma_wait3A_37 : memref<640x128xf32, #tpu.memory_space<hbm>>) dst(%dma_wait3A_35 : memref<640x128xf32, #tpu.memory_space<vmem_shared>>)
      tpu.yield
    }) : () -> ()
    %eq3A = arith.constant 0 : i32
    %eq3A_5 = arith.cmpi eq, %arg0, %eq3A : i32
    %mul3A_6 = arith.constant 92 : i32
    %mul3A_7 = arith.muli %arg1, %mul3A_6 : i32
    %mul3A_8 = arith.constant 66 : i32
    %mul3A_9 = arith.muli %arg1, %mul3A_8 : i32
    %add3A_10 = arith.constant 1472 : i32
    %add3A_11 = arith.addi %add3A_10, %mul3A_9 : i32
    %select_n3A = arith.select %eq3A_5, %mul3A_7, %add3A_11 : i32
    %eq3A_12 = arith.constant 0 : i32
    %eq3A_13 = arith.cmpi eq, %arg0, %eq3A_12 : i32
    %jit3A = arith.constant 92 : i32
    %jit3A_14 = arith.constant 66 : i32
    %select_n3A_15 = arith.select %eq3A_13, %jit3A, %jit3A_14 : i32
    "tpu.region"() ({
      %run_scoped3A = tpu.sem_alloc : memref<!tpu.dma_semaphore, #tpu.memory_space<semaphore_mem>>
      %dma_start3A = arith.constant 0 : i32
      %dma_start3A_32 = tpu.memref_slice %arg4[%select_n3A, %dma_start3A] : memref<2620x128xi32, #tpu.memory_space<hbm>> -> memref<92x128xi32, #tpu.memory_space<hbm>>
      %dma_start3A_33 = arith.constant 0 : i32
      %dma_start3A_34 = tpu.memref_slice %arg4[%select_n3A, %dma_start3A_33] : memref<2620x128xi32, #tpu.memory_space<hbm>> -> memref<92x128xi32, #tpu.memory_space<hbm>>
      tpu.enqueue_dma source(%dma_start3A_34 : memref<92x128xi32, #tpu.memory_space<hbm>>) target(%arg8 : memref<92x128xi32, #tpu.memory_space<vmem>>) target_semaphore(%run_scoped3A : memref<!tpu.dma_semaphore, #tpu.memory_space<semaphore_mem>>)
      %dma_wait3A = arith.constant 0 : i32
      %dma_wait3A_35 = tpu.memref_slice %arg4[%select_n3A, %dma_wait3A] : memref<2620x128xi32, #tpu.memory_space<hbm>> -> memref<92x128xi32, #tpu.memory_space<hbm>>
      %dma_wait3A_36 = arith.constant 0 : i32
      %dma_wait3A_37 = tpu.memref_slice %arg4[%select_n3A, %dma_wait3A_36] : memref<2620x128xi32, #tpu.memory_space<hbm>> -> memref<92x128xi32, #tpu.memory_space<hbm>>
      tpu.wait_dma2 semaphore(%run_scoped3A : memref<!tpu.dma_semaphore, #tpu.memory_space<semaphore_mem>>) src(%dma_wait3A_37 : memref<92x128xi32, #tpu.memory_space<hbm>>) dst(%arg8 : memref<92x128xi32, #tpu.memory_space<vmem>>)
      tpu.yield
    }) : () -> ()
    "tpu.region"() ({
      %run_scoped3A = tpu.sem_alloc : memref<!tpu.dma_semaphore, #tpu.memory_space<semaphore_mem>>
      %dma_start3A = arith.constant 0 : i32
      %dma_start3A_32 = tpu.memref_slice %arg3[%select_n3A, %dma_start3A] : memref<2620x128xi32, #tpu.memory_space<hbm>> -> memref<92x128xi32, #tpu.memory_space<hbm>>
      %dma_start3A_33 = arith.constant 0 : i32
      %dma_start3A_34 = tpu.memref_slice %arg3[%select_n3A, %dma_start3A_33] : memref<2620x128xi32, #tpu.memory_space<hbm>> -> memref<92x128xi32, #tpu.memory_space<hbm>>
      tpu.enqueue_dma source(%dma_start3A_34 : memref<92x128xi32, #tpu.memory_space<hbm>>) target(%arg7 : memref<92x128xi32, #tpu.memory_space<vmem>>) target_semaphore(%run_scoped3A : memref<!tpu.dma_semaphore, #tpu.memory_space<semaphore_mem>>)
      %dma_wait3A = arith.constant 0 : i32
      %dma_wait3A_35 = tpu.memref_slice %arg3[%select_n3A, %dma_wait3A] : memref<2620x128xi32, #tpu.memory_space<hbm>> -> memref<92x128xi32, #tpu.memory_space<hbm>>
      %dma_wait3A_36 = arith.constant 0 : i32
      %dma_wait3A_37 = tpu.memref_slice %arg3[%select_n3A, %dma_wait3A_36] : memref<2620x128xi32, #tpu.memory_space<hbm>> -> memref<92x128xi32, #tpu.memory_space<hbm>>
      tpu.wait_dma2 semaphore(%run_scoped3A : memref<!tpu.dma_semaphore, #tpu.memory_space<semaphore_mem>>) src(%dma_wait3A_37 : memref<92x128xi32, #tpu.memory_space<hbm>>) dst(%arg7 : memref<92x128xi32, #tpu.memory_space<vmem>>)
      tpu.yield
    }) : () -> ()
    %barrier3A = arith.constant 0 : index
    tpu.barrier barrier_id(%barrier3A)
    %while3A = arith.constant 0 : i32
    %while3A_16 = arith.subi %select_n3A_15, %while3A : i32
    %while3A_17 = arith.addi %while3A, %while3A_16 : i32
    %while3A_18 = arith.constant 1 : i32
    %while3A_19 = arith.divsi %while3A_16, %while3A_18 : i32
    %while3A_20 = arith.muli %while3A_19, %while3A_18 : i32
    %while3A_21 = arith.addi %while3A, %while3A_20 : i32
    %while3A_22 = arith.constant 1 : i32
    scf.for %while3A_32 = %while3A to %while3A_21 step %while3A_22  : i32 {
      %dma_start3A = arith.constant 0 : i32
      %dma_start3A_33 = tpu.memref_slice %arg7[%while3A_32, %dma_start3A] : memref<92x128xi32, #tpu.memory_space<vmem>> -> memref<1x128xi32, #tpu.memory_space<vmem>>
      %dma_start3A_34 = tpu.memref_squeeze %dma_start3A_33 : memref<1x128xi32, #tpu.memory_space<vmem>> -> memref<128xi32, #tpu.memory_space<vmem>>
      %dma_start3A_35 = arith.constant 0 : i32
      %dma_start3A_36 = arith.constant 0 : i32
      %dma_start3A_37 = tpu.memref_slice %arg2[%dma_start3A_35, %dma_start3A_36] : memref<10000x128xf32, #tpu.memory_space<hbm>> -> memref<10000x128xf32, #tpu.memory_space<hbm>>
      tpu.enqueue_indirect_dma source(%dma_start3A_37 : memref<10000x128xf32, #tpu.memory_space<hbm>>) target(%arg9 : memref<128x128xf32, #tpu.memory_space<vmem>>) offsets(%dma_start3A_34 : memref<128xi32, #tpu.memory_space<vmem>>) semaphore(%arg11 : memref<!tpu.dma_semaphore, #tpu.memory_space<semaphore_mem>>)
      %dma_wait3A = arith.constant 0 : i32
      %dma_wait3A_38 = tpu.memref_slice %arg7[%while3A_32, %dma_wait3A] : memref<92x128xi32, #tpu.memory_space<vmem>> -> memref<1x128xi32, #tpu.memory_space<vmem>>
      %dma_wait3A_39 = tpu.memref_squeeze %dma_wait3A_38 : memref<1x128xi32, #tpu.memory_space<vmem>> -> memref<128xi32, #tpu.memory_space<vmem>>
      %dma_wait3A_40 = arith.constant 0 : i32
      %dma_wait3A_41 = arith.constant 0 : i32
      %dma_wait3A_42 = tpu.memref_slice %arg2[%dma_wait3A_40, %dma_wait3A_41] : memref<10000x128xf32, #tpu.memory_space<hbm>> -> memref<10000x128xf32, #tpu.memory_space<hbm>>
      tpu.wait_indirect_dma semaphore(%arg11 : memref<!tpu.dma_semaphore, #tpu.memory_space<semaphore_mem>>) src(%dma_wait3A_42 : memref<10000x128xf32, #tpu.memory_space<hbm>>) dst(%arg9 : memref<128x128xf32, #tpu.memory_space<vmem>>)
      "tpu.region"() ({
        %run_scoped3A = tpu.sem_alloc : memref<!tpu.dma_semaphore, #tpu.memory_space<semaphore_mem>>
        %dma_start3A_43 = arith.constant 0 : i32
        %dma_start3A_44 = tpu.memref_slice %arg8[%while3A_32, %dma_start3A_43] : memref<92x128xi32, #tpu.memory_space<vmem>> -> memref<1x128xi32, #tpu.memory_space<vmem>>
        %dma_start3A_45 = tpu.memref_squeeze %dma_start3A_44 : memref<1x128xi32, #tpu.memory_space<vmem>> -> memref<128xi32, #tpu.memory_space<vmem>>
        %dma_start3A_46 = arith.constant 0 : i32
        %dma_start3A_47 = arith.constant 0 : i32
        %dma_start3A_48 = tpu.memref_slice %arg10[%dma_start3A_46, %dma_start3A_47] : memref<10240x128xf32, #tpu.memory_space<vmem_shared>> -> memref<10240x128xf32, #tpu.memory_space<vmem_shared>>
        tpu.enqueue_indirect_dma source(%arg9 : memref<128x128xf32, #tpu.memory_space<vmem>>) target(%dma_start3A_48 : memref<10240x128xf32, #tpu.memory_space<vmem_shared>>) offsets(%dma_start3A_45 : memref<128xi32, #tpu.memory_space<vmem>>) semaphore(%run_scoped3A : memref<!tpu.dma_semaphore, #tpu.memory_space<semaphore_mem>>) {add = true}
        %dma_wait3A_49 = arith.constant 0 : i32
        %dma_wait3A_50 = tpu.memref_slice %arg8[%while3A_32, %dma_wait3A_49] : memref<92x128xi32, #tpu.memory_space<vmem>> -> memref<1x128xi32, #tpu.memory_space<vmem>>
        %dma_wait3A_51 = tpu.memref_squeeze %dma_wait3A_50 : memref<1x128xi32, #tpu.memory_space<vmem>> -> memref<128xi32, #tpu.memory_space<vmem>>
        %dma_wait3A_52 = arith.constant 0 : i32
        %dma_wait3A_53 = arith.constant 0 : i32
        %dma_wait3A_54 = tpu.memref_slice %arg10[%dma_wait3A_52, %dma_wait3A_53] : memref<10240x128xf32, #tpu.memory_space<vmem_shared>> -> memref<10240x128xf32, #tpu.memory_space<vmem_shared>>
        tpu.wait_indirect_dma semaphore(%run_scoped3A : memref<!tpu.dma_semaphore, #tpu.memory_space<semaphore_mem>>) src(%arg9 : memref<128x128xf32, #tpu.memory_space<vmem>>) dst(%dma_wait3A_54 : memref<10240x128xf32, #tpu.memory_space<vmem_shared>>)
        tpu.yield
      }) : () -> ()
    }
    %while3A_23 = arith.constant 1 : i32
    scf.for %while3A_32 = %while3A_21 to %while3A_17 step %while3A_23  : i32 {
      %dma_start3A = arith.constant 0 : i32
      %dma_start3A_33 = tpu.memref_slice %arg7[%while3A_32, %dma_start3A] : memref<92x128xi32, #tpu.memory_space<vmem>> -> memref<1x128xi32, #tpu.memory_space<vmem>>
      %dma_start3A_34 = tpu.memref_squeeze %dma_start3A_33 : memref<1x128xi32, #tpu.memory_space<vmem>> -> memref<128xi32, #tpu.memory_space<vmem>>
      %dma_start3A_35 = arith.constant 0 : i32
      %dma_start3A_36 = arith.constant 0 : i32
      %dma_start3A_37 = tpu.memref_slice %arg2[%dma_start3A_35, %dma_start3A_36] : memref<10000x128xf32, #tpu.memory_space<hbm>> -> memref<10000x128xf32, #tpu.memory_space<hbm>>
      tpu.enqueue_indirect_dma source(%dma_start3A_37 : memref<10000x128xf32, #tpu.memory_space<hbm>>) target(%arg9 : memref<128x128xf32, #tpu.memory_space<vmem>>) offsets(%dma_start3A_34 : memref<128xi32, #tpu.memory_space<vmem>>) semaphore(%arg11 : memref<!tpu.dma_semaphore, #tpu.memory_space<semaphore_mem>>)
      %dma_wait3A = arith.constant 0 : i32
      %dma_wait3A_38 = tpu.memref_slice %arg7[%while3A_32, %dma_wait3A] : memref<92x128xi32, #tpu.memory_space<vmem>> -> memref<1x128xi32, #tpu.memory_space<vmem>>
      %dma_wait3A_39 = tpu.memref_squeeze %dma_wait3A_38 : memref<1x128xi32, #tpu.memory_space<vmem>> -> memref<128xi32, #tpu.memory_space<vmem>>
      %dma_wait3A_40 = arith.constant 0 : i32
      %dma_wait3A_41 = arith.constant 0 : i32
      %dma_wait3A_42 = tpu.memref_slice %arg2[%dma_wait3A_40, %dma_wait3A_41] : memref<10000x128xf32, #tpu.memory_space<hbm>> -> memref<10000x128xf32, #tpu.memory_space<hbm>>
      tpu.wait_indirect_dma semaphore(%arg11 : memref<!tpu.dma_semaphore, #tpu.memory_space<semaphore_mem>>) src(%dma_wait3A_42 : memref<10000x128xf32, #tpu.memory_space<hbm>>) dst(%arg9 : memref<128x128xf32, #tpu.memory_space<vmem>>)
      "tpu.region"() ({
        %run_scoped3A = tpu.sem_alloc : memref<!tpu.dma_semaphore, #tpu.memory_space<semaphore_mem>>
        %dma_start3A_43 = arith.constant 0 : i32
        %dma_start3A_44 = tpu.memref_slice %arg8[%while3A_32, %dma_start3A_43] : memref<92x128xi32, #tpu.memory_space<vmem>> -> memref<1x128xi32, #tpu.memory_space<vmem>>
        %dma_start3A_45 = tpu.memref_squeeze %dma_start3A_44 : memref<1x128xi32, #tpu.memory_space<vmem>> -> memref<128xi32, #tpu.memory_space<vmem>>
        %dma_start3A_46 = arith.constant 0 : i32
        %dma_start3A_47 = arith.constant 0 : i32
        %dma_start3A_48 = tpu.memref_slice %arg10[%dma_start3A_46, %dma_start3A_47] : memref<10240x128xf32, #tpu.memory_space<vmem_shared>> -> memref<10240x128xf32, #tpu.memory_space<vmem_shared>>
        tpu.enqueue_indirect_dma source(%arg9 : memref<128x128xf32, #tpu.memory_space<vmem>>) target(%dma_start3A_48 : memref<10240x128xf32, #tpu.memory_space<vmem_shared>>) offsets(%dma_start3A_45 : memref<128xi32, #tpu.memory_space<vmem>>) semaphore(%run_scoped3A : memref<!tpu.dma_semaphore, #tpu.memory_space<semaphore_mem>>) {add = true}
        %dma_wait3A_49 = arith.constant 0 : i32
        %dma_wait3A_50 = tpu.memref_slice %arg8[%while3A_32, %dma_wait3A_49] : memref<92x128xi32, #tpu.memory_space<vmem>> -> memref<1x128xi32, #tpu.memory_space<vmem>>
        %dma_wait3A_51 = tpu.memref_squeeze %dma_wait3A_50 : memref<1x128xi32, #tpu.memory_space<vmem>> -> memref<128xi32, #tpu.memory_space<vmem>>
        %dma_wait3A_52 = arith.constant 0 : i32
        %dma_wait3A_53 = arith.constant 0 : i32
        %dma_wait3A_54 = tpu.memref_slice %arg10[%dma_wait3A_52, %dma_wait3A_53] : memref<10240x128xf32, #tpu.memory_space<vmem_shared>> -> memref<10240x128xf32, #tpu.memory_space<vmem_shared>>
        tpu.wait_indirect_dma semaphore(%run_scoped3A : memref<!tpu.dma_semaphore, #tpu.memory_space<semaphore_mem>>) src(%arg9 : memref<128x128xf32, #tpu.memory_space<vmem>>) dst(%dma_wait3A_54 : memref<10240x128xf32, #tpu.memory_space<vmem_shared>>)
        tpu.yield
      }) : () -> ()
    }
    %barrier3A_24 = arith.constant 0 : index
    tpu.barrier barrier_id(%barrier3A_24)
    %mul3A_25 = arith.constant 640 : i32
    %mul3A_26 = arith.muli %arg1, %mul3A_25 : i32
    %mul3A_27 = arith.constant 10240 : i32
    %mul3A_28 = arith.muli %arg0, %mul3A_27 : i32
    %mul3A_29 = arith.constant 640 : i32
    %mul3A_30 = arith.muli %arg1, %mul3A_29 : i32
    %add3A_31 = arith.addi %mul3A_28, %mul3A_30 : i32
    "tpu.region"() ({
      %run_scoped3A = tpu.sem_alloc : memref<!tpu.dma_semaphore, #tpu.memory_space<semaphore_mem>>
      %dma_start3A = arith.constant 0 : i32
      %dma_start3A_32 = tpu.memref_slice %arg6[%add3A_31, %dma_start3A] : memref<20480x128xf32, #tpu.memory_space<hbm>> -> memref<640x128xf32, #tpu.memory_space<hbm>>
      %dma_start3A_33 = arith.constant 0 : i32
      %dma_start3A_34 = tpu.memref_slice %arg10[%mul3A_26, %dma_start3A_33] : memref<10240x128xf32, #tpu.memory_space<vmem_shared>> -> memref<640x128xf32, #tpu.memory_space<vmem_shared>>
      tpu.enqueue_dma source(%dma_start3A_34 : memref<640x128xf32, #tpu.memory_space<vmem_shared>>) target(%dma_start3A_32 : memref<640x128xf32, #tpu.memory_space<hbm>>) target_semaphore(%run_scoped3A : memref<!tpu.dma_semaphore, #tpu.memory_space<semaphore_mem>>)
      %dma_wait3A = arith.constant 0 : i32
      %dma_wait3A_35 = tpu.memref_slice %arg6[%add3A_31, %dma_wait3A] : memref<20480x128xf32, #tpu.memory_space<hbm>> -> memref<640x128xf32, #tpu.memory_space<hbm>>
      %dma_wait3A_36 = arith.constant 0 : i32
      %dma_wait3A_37 = tpu.memref_slice %arg10[%mul3A_26, %dma_wait3A_36] : memref<10240x128xf32, #tpu.memory_space<vmem_shared>> -> memref<640x128xf32, #tpu.memory_space<vmem_shared>>
      tpu.wait_dma2 semaphore(%run_scoped3A : memref<!tpu.dma_semaphore, #tpu.memory_space<semaphore_mem>>) src(%dma_wait3A_37 : memref<640x128xf32, #tpu.memory_space<vmem_shared>>) dst(%dma_wait3A_35 : memref<640x128xf32, #tpu.memory_space<hbm>>)
      tpu.yield
    }) : () -> ()
    return
  }
}

module attributes {stable_mosaic.version = 14 : i64} {
  func.func @_mm1_body(%arg0: memref<10000x128xf32, #tpu.memory_space<vmem>>, %arg1: memref<128x128xf32, #tpu.memory_space<vmem>>, %arg2: memref<10000x128xf32, #tpu.memory_space<vmem>>) attributes {dimension_semantics = [], scalar_prefetch = 0 : i64, scratch_operands = 0 : i64, tpu.core_type = #tpu.core_type<tc>} {
    %get3A = arith.constant 0 : index
    %get3A_0 = arith.constant 0 : index
    %get3A_1 = vector.load %arg0[%get3A, %get3A_0] : memref<10000x128xf32, #tpu.memory_space<vmem>>, vector<10000x128xf32>
    %get3A_2 = arith.constant 0 : index
    %get3A_3 = arith.constant 0 : index
    %get3A_4 = vector.load %arg1[%get3A_2, %get3A_3] : memref<128x128xf32, #tpu.memory_space<vmem>>, vector<128x128xf32>
    %dot_general3A = arith.constant dense<0.000000e+00> : vector<10000x128xf32>
    %dot_general3A_5 = tpu.matmul %get3A_1, %get3A_4, %dot_general3A {dimension_numbers = #tpu.dot_dimension_numbers<[1], [0], [0], [1], [0, 0, 1, 1], [], []>, transpose_lhs_hint = false} : vector<10000x128xf32>, vector<128x128xf32>, vector<10000x128xf32> -> vector<10000x128xf32>
    %swap3A = arith.constant 0 : index
    %swap3A_6 = arith.constant 0 : index
    %swap3A_7 = vector.load %arg2[%swap3A, %swap3A_6] : memref<10000x128xf32, #tpu.memory_space<vmem>>, vector<10000x128xf32>
    tpu.vector_store %arg2[%swap3A, %swap3A_6], %dot_general3A_5 {strides = array<i32>} : memref<10000x128xf32, #tpu.memory_space<vmem>>, vector<10000x128xf32>,
    return
  }
}

module attributes {stable_mosaic.version = 14 : i64} {
  func.func @_scale1_body(%arg0: memref<32x10240xf32, #tpu.memory_space<vmem>>, %arg1: memref<10000x128xf32, #tpu.memory_space<vmem>>, %arg2: memref<10000x128xf32, #tpu.memory_space<vmem>>, %arg3: memref<10240xf32, #tpu.memory_space<vmem>>) attributes {dimension_semantics = [], scalar_prefetch = 0 : i64, scratch_operands = 0 : i64, tpu.core_type = #tpu.core_type<tc>} {
    %get3A = arith.constant 0 : index
    %get3A_0 = arith.constant 0 : index
    %get3A_1 = vector.load %arg0[%get3A, %get3A_0] : memref<32x10240xf32, #tpu.memory_space<vmem>>, vector<32x10240xf32>
    %reduce_sum3A = arith.constant dense<0.000000e+00> : vector<10240xf32>
    %reduce_sum3A_2 = vector.multi_reduction <add>, %get3A_1, %reduce_sum3A [0] : vector<32x10240xf32> to vector<10240xf32>
    %add3A = arith.constant 1.000000e+00 : f32
    %add3A_3 = vector.broadcast %add3A : f32 to vector<10240xf32>
    %add3A_4 = arith.addf %reduce_sum3A_2, %add3A_3 : vector<10240xf32>
    %max3A = arith.constant 1.000000e+00 : f32
    %max3A_5 = vector.broadcast %max3A : f32 to vector<10240xf32>
    %max3A_6 = arith.maximumf %add3A_4, %max3A_5 : vector<10240xf32>
    %rsqrt3A = math.rsqrt %max3A_6 : vector<10240xf32>
    %swap3A = arith.constant 0 : index
    %swap3A_7 = vector.load %arg3[%swap3A] : memref<10240xf32, #tpu.memory_space<vmem>>, vector<10240xf32>
    tpu.vector_store %arg3[%swap3A], %rsqrt3A {strides = array<i32>} : memref<10240xf32, #tpu.memory_space<vmem>>, vector<10240xf32>,
    %get3A_8 = arith.constant 0 : index
    %get3A_9 = arith.constant 0 : index
    %get3A_10 = vector.load %arg1[%get3A_8, %get3A_9] : memref<10000x128xf32, #tpu.memory_space<vmem>>, vector<10000x128xf32>
    %slice3A = vector.extract_strided_slice %rsqrt3A {offsets = [0], sizes = [10000], strides = [1]} : vector<10240xf32> to vector<10000xf32>
    %broadcast_in_dim3A = vector.shape_cast %slice3A : vector<10000xf32> to vector<10000x1xf32>
    %mul3A = vector.broadcast %broadcast_in_dim3A : vector<10000x1xf32> to vector<10000x128xf32>
    %mul3A_11 = arith.mulf %get3A_10, %mul3A : vector<10000x128xf32>
    %swap3A_12 = arith.constant 0 : index
    %swap3A_13 = arith.constant 0 : index
    %swap3A_14 = vector.load %arg2[%swap3A_12, %swap3A_13] : memref<10000x128xf32, #tpu.memory_space<vmem>>, vector<10000x128xf32>
    tpu.vector_store %arg2[%swap3A_12, %swap3A_13], %mul3A_11 {strides = array<i32>} : memref<10000x128xf32, #tpu.memory_space<vmem>>, vector<10000x128xf32>,
    return
  }
}

module attributes {stable_mosaic.version = 14 : i64} {
  func.func @_mid_body(%arg0: memref<20480x128xf32, #tpu.memory_space<vmem>>, %arg1: memref<10000x128xf32, #tpu.memory_space<vmem>>, %arg2: memref<10240xf32, #tpu.memory_space<vmem>>, %arg3: memref<128x48xf32, #tpu.memory_space<vmem>>, %arg4: memref<10000x48xf32, #tpu.memory_space<vmem>>) attributes {dimension_semantics = [], scalar_prefetch = 0 : i64, scratch_operands = 0 : i64, tpu.core_type = #tpu.core_type<tc>} {
    %get3A = arith.constant 0 : index
    %get3A_0 = vector.load %arg2[%get3A] : memref<10240xf32, #tpu.memory_space<vmem>>, vector<10240xf32>
    %slice3A = vector.extract_strided_slice %get3A_0 {offsets = [0], sizes = [10000], strides = [1]} : vector<10240xf32> to vector<10000xf32>
    %broadcast_in_dim3A = vector.shape_cast %slice3A : vector<10000xf32> to vector<10000x1xf32>
    %get3A_1 = arith.constant 0 : index
    %get3A_2 = arith.constant 0 : index
    %get3A_3 = vector.load %arg0[%get3A_1, %get3A_2] : memref<20480x128xf32, #tpu.memory_space<vmem>>, vector<10000x128xf32>
    %get3A_4 = arith.constant 10240 : index
    %get3A_5 = arith.constant 0 : index
    %get3A_6 = vector.load %arg0[%get3A_4, %get3A_5] : memref<20480x128xf32, #tpu.memory_space<vmem>>, vector<10000x128xf32>
    %add3A = arith.addf %get3A_3, %get3A_6 : vector<10000x128xf32>
    %get3A_7 = arith.constant 0 : index
    %get3A_8 = arith.constant 0 : index
    %get3A_9 = vector.load %arg1[%get3A_7, %get3A_8] : memref<10000x128xf32, #tpu.memory_space<vmem>>, vector<10000x128xf32>
    %add3A_10 = arith.addf %add3A, %get3A_9 : vector<10000x128xf32>
    %mul3A = vector.broadcast %broadcast_in_dim3A : vector<10000x1xf32> to vector<10000x128xf32>
    %mul3A_11 = arith.mulf %add3A_10, %mul3A : vector<10000x128xf32>
    %max3A = arith.constant 0.000000e+00 : f32
    %max3A_12 = vector.broadcast %max3A : f32 to vector<10000x128xf32>
    %max3A_13 = arith.maximumf %mul3A_11, %max3A_12 : vector<10000x128xf32>
    %get3A_14 = arith.constant 0 : index
    %get3A_15 = arith.constant 0 : index
    %get3A_16 = vector.load %arg3[%get3A_14, %get3A_15] : memref<128x48xf32, #tpu.memory_space<vmem>>, vector<128x48xf32>
    %dot_general3A = arith.constant dense<0.000000e+00> : vector<10000x48xf32>
    %dot_general3A_17 = tpu.matmul %max3A_13, %get3A_16, %dot_general3A {dimension_numbers = #tpu.dot_dimension_numbers<[1], [0], [0], [1], [0, 0, 1, 1], [], []>, transpose_lhs_hint = false} : vector<10000x128xf32>, vector<128x48xf32>, vector<10000x48xf32> -> vector<10000x48xf32>
    %mul3A_18 = vector.broadcast %broadcast_in_dim3A : vector<10000x1xf32> to vector<10000x48xf32>
    %mul3A_19 = arith.mulf %dot_general3A_17, %mul3A_18 : vector<10000x48xf32>
    %swap3A = arith.constant 0 : index
    %swap3A_20 = arith.constant 0 : index
    %swap3A_21 = vector.load %arg4[%swap3A, %swap3A_20] : memref<10000x48xf32, #tpu.memory_space<vmem>>, vector<10000x48xf32>
    tpu.vector_store %arg4[%swap3A, %swap3A_20], %mul3A_19 {strides = array<i32>} : memref<10000x48xf32, #tpu.memory_space<vmem>>, vector<10000x48xf32>,
    return
  }
}

module attributes {stable_mosaic.version = 14 : i64} {
  func.func @_final_body(%arg0: memref<20480x48xf32, #tpu.memory_space<vmem>>, %arg1: memref<10000x48xf32, #tpu.memory_space<vmem>>, %arg2: memref<10240xf32, #tpu.memory_space<vmem>>, %arg3: memref<10000x48xf32, #tpu.memory_space<vmem>>) attributes {dimension_semantics = [], scalar_prefetch = 0 : i64, scratch_operands = 0 : i64, tpu.core_type = #tpu.core_type<tc>} {
    %get3A = arith.constant 0 : index
    %get3A_0 = vector.load %arg2[%get3A] : memref<10240xf32, #tpu.memory_space<vmem>>, vector<10240xf32>
    %slice3A = vector.extract_strided_slice %get3A_0 {offsets = [0], sizes = [10000], strides = [1]} : vector<10240xf32> to vector<10000xf32>
    %broadcast_in_dim3A = vector.shape_cast %slice3A : vector<10000xf32> to vector<10000x1xf32>
    %get3A_1 = arith.constant 0 : index
    %get3A_2 = arith.constant 0 : index
    %get3A_3 = vector.load %arg0[%get3A_1, %get3A_2] : memref<20480x48xf32, #tpu.memory_space<vmem>>, vector<10000x48xf32>
    %get3A_4 = arith.constant 10240 : index
    %get3A_5 = arith.constant 0 : index
    %get3A_6 = vector.load %arg0[%get3A_4, %get3A_5] : memref<20480x48xf32, #tpu.memory_space<vmem>>, vector<10000x48xf32>
    %add3A = arith.addf %get3A_3, %get3A_6 : vector<10000x48xf32>
    %get3A_7 = arith.constant 0 : index
    %get3A_8 = arith.constant 0 : index
    %get3A_9 = vector.load %arg1[%get3A_7, %get3A_8] : memref<10000x48xf32, #tpu.memory_space<vmem>>, vector<10000x48xf32>
    %add3A_10 = arith.addf %add3A, %get3A_9 : vector<10000x48xf32>
    %mul3A = vector.broadcast %broadcast_in_dim3A : vector<10000x1xf32> to vector<10000x48xf32>
    %mul3A_11 = arith.mulf %add3A_10, %mul3A : vector<10000x48xf32>
    %swap3A = arith.constant 0 : index
    %swap3A_12 = arith.constant 0 : index
    %swap3A_13 = vector.load %arg3[%swap3A, %swap3A_12] : memref<10000x48xf32, #tpu.memory_space<vmem>>, vector<10000x48xf32>
    tpu.vector_store %arg3[%swap3A, %swap3A_12], %mul3A_11 {strides = array<i32>} : memref<10000x48xf32, #tpu.memory_space<vmem>>, vector<10000x48xf32>,
    return
  }
}

</mosaic_0001>

<sc_bundles>
// kernel: kernel.12.cloned.1.call-start
scs
__scs_entry_jumppad:
0x0: {  	(pc) =	sbr.rel $0x88, $3  }
0x1: {  	(tag) =	ssettag $0x0;
	lr =	simm.s32 $0x1  }
0x2: {  	[smem:$0x3F9D] =	sst lr;
	_ =	strace $0xD0000000  }
0x3: {  	_ = 	snop  }
0x4: {  	_ = 	snop  }
0x5: {  	_ = 	snop  }
0x6: {  	_ = 	snop  }
0x7: {  	_ = 	snop  }
__scs_overlays_trampoline_lowered:
0x8: {  	[smem:$0x3FAC] =	sst s0  }
0x9: {  	[smem:$0x3FAD] =	sst s1  }
0xa: {  	[smem:$0x3FAE] =	sst s2  }
0xb: {  	[smem:$0x3FAF] =	sst s3  }
0xc: {  	[smem:$0x3FB0] =	sst s4  }
0xd: {  	[smem:$0x3FB1] =	sst s5  }
0xe: {  	[smem:$0x3FB2] =	sst s6  }
0xf: {  	[smem:$0x3FB3] =	sst s7  }
0x10: {  	[smem:$0x3FB4] =	sst s8  }
0x11: {  	[smem:$0x3FB5] =	sst s9;
	s0 =	simm.s32 @!p0 $0x0  }
0x12: {  	s1 =	sld [smem:$0x3F9B];
	s0 =	simm.s32 @p0 $0x1  }
0x13: {  	[smem:$0x3FB6] =	sst s0;
	s0 =	simm.s32 @!p1 $0x0  }
0x14: {  	s2 =	sld [smem:$0x3F9A];
	s0 =	simm.s32 @p1 $0x1  }
0x15: {  	[smem:$0x3FB7] =	sst s0;
	s0 =	simm.s32 @!p2 $0x0  }
0x16: {  	s3 =	sld [smem:$0x3FDB];
	s0 =	simm.s32 @p2 $0x1  }
0x17: {  	s4 =	simm.s32 $0x1BF5;
	[smem:$0x3FB9] =	sst s0  }
0x18: {  	s0 =	sld [smem:$0x3F9C];
	_ =	swait.ge [sflag:s4], $0x0  }
0x19: {  	s7 =	sld [smem:$0x3F9D]  }
0x1a: {  	s8 =	sadd.s32 $0xFFFFE003, lr  }
0x1b: {  	s9 =	sadd.s32 $0xFFFFFEF7, lr;
	s5 =	simm.s32 $0xFFFFFFFF;
	p2 =	slt.u32 s8, $0xFFFFF086  }
0x1c: {  	p1 =	slt.u32 s9, $0xF7A;
	s5 =	simm.s32 @!p2 $0x0  }
0x1d: {  	s5 =	simm.s32 @p1 $0x1;
	p0 =	seq.s32 s7, s2  }
0x1e: {  	s7 =	smul.u32 @!p0 $0xF7A, s2;
	p2 =	seq.s32 @!p0 s5, $0x0  }
0x1f: {  	s9 =	smul.u32 $0xF7A, s1;
	s8 =	simm.s32 @!p0 $0x1BF5;
	p2 =	por !p2, p0  }
0x20: {  	[sflag:s8] =	ssyncset.s32 @!p0 $0xFFFFF086;
	s6 =	sadd.s32 @!p0 s3, s7;
	s7 =	simm.s32 @!p0 $0x108  }
0x21: {  	s3 =	sadd.s32 s3, s9;
	s6 =	sadd.s32 @!p0 $0x88, s6;
	s7 =	simm.s32 @p2 $0x1082  }
0x22: {  	[simem:s7], [sflag:s8] =	dma.local @!p0 [hbm:s6], $0xF7A  }
0x23: {  	s9 =	sor.u32 $0xD0000000, s2;
	s6 =	simm.s32 $0x108;
	_ =	swait.ge @!p0 [sflag:s8], $0x0  }
0x24: {  	s3 =	sadd.s32 $0x88, s3;
	s6 =	simm.s32 @!p1 $0x1082;
	[sflag:s4] =	ssyncset.s32 $0xFFFFF086  }
0x25: {  	[simem:s6], [sflag:s4] =	dma.local [hbm:s3], $0xF7A  }
0x26: {  	[smem:$0x3F9D] =	sst s1;
	(tag) =	ssettag s2;
	_ =	strace s9  }
0x27: {  	s1 =	sld [smem:$0x3FAD]  }
0x28: {  	s2 =	sld [smem:$0x3FAE]  }
0x29: {  	s4 =	sld [smem:$0x3FB0]  }
0x2a: {  	p0 =	seq.s32 s5, $0x0;
	s5 =	sld [smem:$0x3FB1]  }
0x2b: {  	s6 =	sld [smem:$0x3FB2]  }
0x2c: {  	s7 =	sld [smem:$0x3FB3]  }
0x2d: {  	s3 =	simm.s32 $0x108;
	s8 =	sld [smem:$0x3FB4]  }
0x2e: {  	s3 =	simm.s32 @!p0 $0x1082;
	s9 =	sld [smem:$0x3FB5]  }
0x2f: {  	lr =	sadd.s32 s0, s3;
	s0 =	sld [smem:$0x3FAC]  }
0x30: {  	s3 =	sld [smem:$0x3FAF]  }
0x31: {  	[smem:$0x3FB8] =	sst s10  }
0x32: {  	s10 =	sld [smem:$0x3FB6];
	_ =	sdelay $0x3  }
0x33: {  	p0 =	seq.s32 s10, $0x1;
	s10 =	sld [smem:$0x3FB8];
	_ =	sdelay $0x3  }
0x34: {  	[smem:$0x3FB8] =	sst s10  }
0x35: {  	s10 =	sld [smem:$0x3FB7];
	_ =	sdelay $0x3  }
0x36: {  	p1 =	seq.s32 s10, $0x1;
	s10 =	sld [smem:$0x3FB8];
	_ =	sdelay $0x3  }
0x37: {  	[smem:$0x3FB8] =	sst s10  }
0x38: {  	s10 =	sld [smem:$0x3FB9]  }
0x39: {  	_ = 	snop;
	(pc) =	sbr.ind lr, $3  }
0x3a: {  	_ = 	snop  }
0x3b: {  	_ = 	snop  }
0x3c: {  	p2 =	seq.s32 s10, $0x1;
	s10 =	sld [smem:$0x3FB8]  }
0x3d: {  	_ =	shalt  }
0x3e: {  	_ =	shalt  }
0x3f: {  	_ =	shalt  }
0x40: {  	_ =	shalt  }
0x41: {  	_ =	shalt  }
0x42: {  	_ =	shalt  }
0x43: {  	_ =	shalt  }
0x44: {  	_ =	shalt  }
0x45: {  	_ =	shalt  }
0x46: {  	_ =	shalt  }
0x47: {  	_ =	shalt  }
0x48: {  	_ =	shalt  }
0x49: {  	_ =	shalt  }
0x4a: {  	_ =	shalt  }
0x4b: {  	_ =	shalt  }
0x4c: {  	_ =	shalt  }
0x4d: {  	_ =	shalt  }
0x4e: {  	_ =	shalt  }
0x4f: {  	_ =	shalt  }
0x50: {  	_ =	shalt  }
0x51: {  	_ =	shalt  }
0x52: {  	_ =	shalt  }
0x53: {  	_ =	shalt  }
0x54: {  	_ =	shalt  }
0x55: {  	_ =	shalt  }
0x56: {  	_ =	shalt  }
0x57: {  	_ =	shalt  }
0x58: {  	_ =	shalt  }
0x59: {  	_ =	shalt  }
0x5a: {  	_ =	shalt  }
0x5b: {  	_ =	shalt  }
0x5c: {  	_ =	shalt  }
0x5d: {  	_ =	shalt  }
0x5e: {  	_ =	shalt  }
0x5f: {  	_ =	shalt  }
0x60: {  	_ =	shalt  }
0x61: {  	_ =	shalt  }
0x62: {  	_ =	shalt  }
0x63: {  	_ =	shalt  }
0x64: {  	_ =	shalt  }
0x65: {  	_ =	shalt  }
0x66: {  	_ =	shalt  }
0x67: {  	_ =	shalt  }
0x68: {  	_ =	shalt  }
0x69: {  	_ =	shalt  }
0x6a: {  	_ =	shalt  }
0x6b: {  	_ =	shalt  }
0x6c: {  	_ =	shalt  }
0x6d: {  	_ =	shalt  }
0x6e: {  	_ =	shalt  }
0x6f: {  	_ =	shalt  }
0x70: {  	_ =	shalt  }
0x71: {  	_ =	shalt  }
0x72: {  	_ =	shalt  }
0x73: {  	_ =	shalt  }
0x74: {  	_ =	shalt  }
0x75: {  	_ =	shalt  }
0x76: {  	_ =	shalt  }
0x77: {  	_ =	shalt  }
0x78: {  	_ =	shalt  }
0x79: {  	_ =	shalt  }
0x7a: {  	_ =	shalt  }
0x7b: {  	_ =	shalt  }
0x7c: {  	_ =	shalt  }
0x7d: {  	_ =	shalt  }
0x7e: {  	_ =	shalt  }
0x7f: {  	_ =	shalt  }
0x80: {  	_ =	shalt  }
0x81: {  	_ =	shalt  }
0x82: {  	_ =	shalt  }
0x83: {  	_ =	shalt  }
0x84: {  	_ =	shalt  }
0x85: {  	_ =	shalt  }
0x86: {  	_ =	shalt  }
0x87: {  	_ =	shalt  }
.Lfunc_end0:
.L_simem_size_0:
called_computation.1_lowered:
.L_overlay_start_0:
0x88: {  	s2 =	sld [smem:$0x3FD9]  }
0x89: {  	s3 =	sld [smem:$0x3FFE];
	_ =	sdelay $0x1  }
0x8a: {  	s1 =	srdreg.scid  }
0x8b: {  	s0 =	sand.u32 $0x1, s1  }
0x8c: {  	s17 =	sshll.u32 s0, $0xA;
	s2 =	sadd.s32 s3, s2  }
0x8d: {  	s2 =	sadd.s32 s2, s17  }
0x8e: {  	[smem:$0x3FC4] =	sst s2  }
0x8f: {  	_ = 	snop  }
0x90: {  	s2 =	sld [smem:$0x3FD0];
	(tm) =	ssettm $0x1  }
0x91: {  	s18 =	sld [smem:$0x3FFB];
	_ =	sdelay $0x3  }
0x92: {  	_ =	strace s18  }
0x93: {  	s3 =	sld [smem:$0x3FFC];
	_ =	sdelay $0x3  }
0x94: {  	_ =	strace s3  }
0x95: {  	s3 =	sld [smem:$0x3FFD];
	_ =	sdelay $0x3  }
0x96: {  	_ =	strace s3  }
0x97: {  	_ =	strace $0x8FFFFFFF  }
0x98: {  	s19 =	sld [smem:$0x3FDB];
	_ =	sdelay $0x1  }
0x99: {  	s4 =	simm.s32 $_scs_section_size  }
0x9a: {  	s5 =	simm.s32 $_size__tile_overlayer_lowered;
	s6 =	simm.s32 $_tile_overlayer_lowered  }
0x9b: {  	s22 =	simm.s32 $0x1BFF;
	s21 =	sshll.u32 s6, $0x1;
	s3 =	sadd.s32 s4, s19  }
0x9c: {  	s7 =	simm.s32 $0x0;
	s20 =	sshll.u32 s5, $0x1;
	s5 =	sadd.s32 s21, s3  }
0x9d: {  	[timem:s7], [sflag:s22] =	dma.local [hbm:s5], s20  }
0x9e: {  	_ =	swait.ge [sflag:s22], s20  }
0x9f: {  	s4 =	ssub.s32 $0x0, s20;
	[sflag:s22] =	ssyncset.done $0x0  }
0xa0: {  	[sflag:s22] =	ssyncadd.s32 s4;
	_ =	sdelay $0x1  }
0xa1: {  	s23 =	simm.s32 $0x1B8B  }
0xa2: {  	_ =	swait.ge [sflag:s23], $0x1  }
0xa3: {  	[sflag:s23] =	ssyncset.done $0x0  }
0xa4: {  	s25 =	simm.s32 $0x1B8E;
	s24 =	sld [smem:$0x3FFE];
	[sflag:s23] =	ssyncadd.s32 $0xFFFFFFFF  }
0xa5: {  	s26 =	simm.s32 $execute0_lowered;
	[smem:$0x3FD2] =	sst s25  }
0xa6: {  	s5 =	sshll.u32 s26, $0x1;
	_ =	strace $0x80000049;
	[dreg:$0x1] =	wrdreg $0xFFFFFFFF  }
0xa7: {  	s28 =	simm.s32 $_size_execute0_lowered;
	s3 =	sadd.s32 s3, s5;
	[dreg:$0x0] =	wrdreg $0x0  }
0xa8: {  	s5 =	sshll.u32 s28, $0x1;
	[dreg:$0x2] =	wrdreg s3  }
0xa9: {  	[dreg:$0x3] =	wrdreg s5  }
0xaa: {  	[dreg:$0x4] =	wrdreg $0xC0  }
0xab: {  	_ =	task [dreg:s7], $0x5FFFF  }
0xac: {  	[dreg:$0x1] =	wrdreg $0xFFFFFFFF  }
0xad: {  	[dreg:$0x0] =	wrdreg $0x60  }
0xae: {  	[dreg:$0x2] =	wrdreg s24  }
0xaf: {  	[dreg:$0x3] =	wrdreg s2  }
0xb0: {  	[dreg:$0x4] =	wrdreg $0x9C000  }
0xb1: {  	[dreg:$0x5] =	wrdreg $0x9  }
0xb2: {  	_ =	task.clear_ibuf [dreg:s7], $0x6FFFF;
	_ =	strace $0x90000049  }
0xb3: {  	s29 =	simm.s32 $0x9;
	_ =	strace $0x8000004B  }
0xb4: {  	_ =	swait.ge [sflag:s29], $0x1  }
0xb5: {  	[sflag:s29] =	ssyncadd.s32 $0xFFFFFFFF  }
0xb6: {  	_ =	strace $0x9000004B  }
0xb7: {  	_ =	sfence  }
0xb8: {  	s30 =	sld [smem:$0x0];
	_ =	sdelay $0x2  }
0xb9: {  	s31 =	sshll.u32 s1, $0xD;
	s1 =	sshrl.u32 s1, $0x2  }
0xba: {  	s3 =	sand.u32 $0x4000, s31;
	s1 =	sadd.s32 s1, s30  }
0xbb: {  	s0 =	sor.u32 s3, s0;
	s1 =	sshll.u32 s1, $0x11  }
0xbc: {  	s0 =	sor.u32 s1, s0  }
0xbd: {  	s0 =	sadd.s32 $0x8F2B, s0  }
0xbe: {  	[sflag:s0] =	ssyncadd.remote.s32 $0x1  }
0xbf: {  	_ =	sfence.sel $0xFFFF  }
0xc0: {  	[dreg:$0x0] =	wrdreg $0xFFFFFFFF;
	(pc) =	sbr.abs _section_cstart, $3  }
0xc1: {  	[dreg:$0x1] =	wrdreg $0xFFFFFFFF  }
0xc2: {  	_ =	task.clear_ibuf [dreg:s7], $0x2FFFF;
	_ =	strace $0x9FFFFFFF  }
0xc3: {  	(tm) =	ssettm $0x7FFFFFFF  }
tec
execute0_lowered:
.L_overlay_start_1:
0x0: {  	(tag) =	ssettag $0x1  }
0x1: {  	s5 =	rddreg [dreg:$0x0]  }
0x2: {  	s9 =	rddreg [dreg:$0x1];
	s1 =	stileid.u32  }
0x3: {  	s4 =	srdreg.scid;
	s6 =	smul.u32 $0x42, s1  }
0x4: {  	s2 =	rddreg [dreg:$0x2];
	s7 =	sand.u32 $0x1, s4;
	s4 =	smul.u32 $0x5C, s1  }
0x5: {  	s0 =	rddreg [dreg:$0x3];
	s3 =	simm.s32 $0x0;
	s8 =	smul.u32 $0x14000, s1  }
0x6: {  	s17 =	simm.s32 $0x0;
	[smem:$0x7FF] =	sst s3;
	s10 =	smul.u32 $0x2800, s1  }
0x7: {  	s31 =	sshll.u32 s1, $0x6;
	p0 =	seq.s32 s7, $0x0;
	_ =	strace $0x8000004A  }
0x8: {  	s29 =	smul.u32 $0x28000, s7;
	s7 =	ssub.s32 $0x2, s7;
	s6 =	sadd.s32 $0x5C0, s6  }
0x9: {  	s13 =	sshrl.u32 s8, $0x3;
	s30 =	sshrl.u32 s7, $0x1;
	s16 =	sadd.s32 s8, s2  }
0xa: {  	s6 =	smov.u32 @p0 s4;
	s4 =	sadd.s32 $0x20600, s5;
	s13 =	sadd.s32 s13, s5  }
0xb: {  	s15 =	ssub.s32 s7, s30;
	s11 =	sshll.u32 s6, $0x4;
	s6 =	sadd.s32 s10, s29  }
0xc: {  	s7 =	sor.u32 $0x1C02, s31;
	s12 =	sadd.s32 s11, s5;
	s14 =	sadd.s32 s6, s5  }
0xd: {  	s5 =	sadd.s32 $0x47800, s13;
	s6 =	simm.s32 $0x5C;
	s9 =	sadd.s32 s9, s11  }
0xe: {  	s11 =	smax.u32 s15, $0x1;
	s13 =	simm.s32 $0x2;
	s15 =	simm.s32 $0x5C00  }
0xf: {  	s6 =	simm.s32 @!p0 $0x42;
	s8 =	sadd.s32 $0x16200, s12;
	s10 =	sadd.s32 $0x6F800, s14  }
0x10: {  	s12 =	sshrl.u32 s16, $0x3;
	s14 =	simm.s32 $0x80;
	s16 =	simm.s32 $0x1  }
.LBB2_1:
0x11: {  	[spmem:s12], [sflag:s7] =	dma.local [hbm:s5], $0x2800  }
0x12: {  	_ =	swait.ge [sflag:s13], $0x2800  }
0x13: {  	[sflag:s13] =	ssyncset.done $0x0  }
0x14: {  	s18 =	simm.s32 $0x2E00;
	[sflag:s13] =	ssyncadd.s32 $0xFFFFD800  }
0x15: {  	[tilespmem:s18], [sflag:$0x2] =	stream.linear.gather [hbm4b:s8+s3], $0x2E00, $0x38;
	[tilespmem:$0x1DC00] =	vst v63  }
0x16: {  	_ =	swait.ge [sflag:s13], $0x2E00  }
0x17: {  	[sflag:s13] =	ssyncset.done $0x0  }
0x18: {  	[sflag:s13] =	ssyncadd.s32 $0xFFFFD200  }
0x19: {  	[tilespmem:s3], [sflag:$0x2] =	stream.linear.gather [hbm4b:s9+s3], $0x2E00, $0x38;
	[tilespmem:$0x1DC00] =	vst v63  }
0x1a: {  	_ =	swait.ge [sflag:s13], $0x2E00  }
0x1b: {  	[sflag:s13] =	ssyncset.done $0x0  }
0x1c: {  	[sflag:s13] =	ssyncadd.s32 $0xFFFFD200  }
0x1d: {  	[bflag:$0x0] =	sbarrier.arrive $0xFFFF  }
0x1e: {  	[tilespmem:s15], [sflag:$0x1] =	stream.indirect.gather [hbm4b:s4+s14], $0x80, s3, s14, $0xb8;
	[tilespmem:$0x1DC00] =	vst v63  }
0x1f: {  	p0 =	sne.s32 s6, $0x1;
	_ =	swait.ge [sflag:s16], $0x4000  }
.Ltmp0:
0x20: {  	[sflag:s16] =	ssyncset.done $0x0;
	(pc) =	sbr.rel @!p0 .LBB2_3-.Ltmp0, $4  }
0x21: {  	[sflag:s16] =	ssyncadd.s32 $0xFFFFC000  }
0x22: {  	[spmem:s2] =	stream.indirect.scatter.add.f32 [tilespmem:s15], [sflag:$0x2], $0x80, s18, s14, $0xb8;
	[tilespmem:$0x1DC00] =	vst v63  }
0x23: {  	_ =	swait.ge [sflag:s13], $0x4000  }
0x24: {  	s19 =	sadd.s32 $0xFFFFFFFF, s6;
	s20 =	simm.s32 $0x0;
	[sflag:s13] =	ssyncset.done $0x0  }
.LBB2_2:
0x25: {  	[sflag:s13] =	ssyncadd.s32 $0xFFFFC000;
	s20 =	sadd.s32 $0x80, s20;
	s18 =	sadd.s32 $0x80, s18  }
0x26: {  	[tilespmem:s15], [sflag:$0x1] =	stream.indirect.gather [hbm4b:s4+s14], $0x80, s20, s14, $0xb8;
	[tilespmem:$0x1DC00] =	vst v63  }
0x27: {  	p0 =	sne.s32 s19, $0x1;
	s19 =	sadd.s32 $0xFFFFFFFF, s19;
	_ =	swait.ge [sflag:s16], $0x4000  }
.Ltmp1:
0x28: {  	[sflag:s16] =	ssyncset.done $0x0;
	(pc) =	sbr.rel @p0 .LBB2_2-.Ltmp1, $4  }
0x29: {  	[sflag:s16] =	ssyncadd.s32 $0xFFFFC000  }
0x2a: {  	[spmem:s2] =	stream.indirect.scatter.add.f32 [tilespmem:s15], [sflag:$0x2], $0x80, s18, s14, $0xb8;
	[tilespmem:$0x1DC00] =	vst v63  }
0x2b: {  	_ =	swait.ge [sflag:s13], $0x4000  }
0x2c: {  	[sflag:s13] =	ssyncset.done $0x0  }
.LBB2_3:
0x2d: {  	s17 =	sadd.s32 $0x1, s17  }
0x2e: {  	[sflag:s13] =	ssyncadd.s32 $0xFFFFC000;
	p0 =	sne.s32 s17, s11  }
.Ltmp2:
0x2f: {  	[bflag:$0x0] =	sbarrier.arrive $0xFFFF;
	(pc) =	sbr.rel @p0 .LBB2_1-.Ltmp2, $4  }
0x30: {  	[hbm:s10], [sflag:s7] =	dma.local [spmem:s12], $0x2800  }
0x31: {  	_ =	swait.ge [sflag:s13], $0x2800  }
0x32: {  	[sflag:s13] =	ssyncset.done $0x0  }
0x33: {  	[sflag:s13] =	ssyncadd.s32 $0xFFFFD800  }
0x34: {  	_ =	sfence.sel $0x180000  }
0x35: {  	[bflag:$0x0] =	sbarrier.arrive $0xFFFF  }
0x36: {  	p0 =	sne.s32 s1, $0x0;
	_ =	strace $0x9000004A  }
0x37: {  	s0 =	sadd.s32 @!p0 $0x100000, s0;
	[bflag:$0x2] =	sbarrier.arrive $0xFFFF  }
0x38: {  	[sflag:s0] =	ssyncadd.tile.s32 @!p0 $0x1;
	_ =	shalt  }
.Lfunc_end2:
_tile_overlayer_lowered:
.L_overlay_start_2:
0x39: {  	(tag) =	ssettag $0x2  }
0x3a: {  	s0 =	rddreg [dreg:$0x0];
	s2 =	stileid.u32  }
0x3b: {  	s1 =	rddreg [dreg:$0x1];
	p0 =	sne.s32 s2, $0x0  }
0x3c: {  	s3 =	rddreg [dreg:$0x2];
	[bflag:$0x3] =	sbarrier.arrive $0xFFFF;
	s2 =	simm.s32 @!p0 $0x1C02  }
0x3d: {  	[timem:s3], [sflag:s2] =	dma.local @!p0 [hbm:s0], s1  }
0x3e: {  	s0 =	simm.s32 @!p0 $0x2  }
0x3f: {  	_ =	swait.ge @!p0 [sflag:s0], s1  }
0x40: {  	s1 =	ssub.s32 @!p0 $0x0, s1;
	[sflag:s0] =	ssyncset.done @!p0 $0x0  }
0x41: {  	[sflag:s0] =	ssyncadd.s32 @!p0 s1  }
0x42: {  	[bflag:$0x3] =	sbarrier.arrive $0xFFFF  }
0x43: {  	_ =	shalt  }

// kernel: kernel.15.cloned.1.call-start
scs
__scs_entry_jumppad:
0x0: {  	(pc) =	sbr.rel $0x88, $3  }
0x1: {  	(tag) =	ssettag $0x0;
	lr =	simm.s32 $0x1  }
0x2: {  	[smem:$0x3F9D] =	sst lr;
	_ =	strace $0xD0000000  }
0x3: {  	_ = 	snop  }
0x4: {  	_ = 	snop  }
0x5: {  	_ = 	snop  }
0x6: {  	_ = 	snop  }
0x7: {  	_ = 	snop  }
__scs_overlays_trampoline_lowered:
0x8: {  	[smem:$0x3FAC] =	sst s0  }
0x9: {  	[smem:$0x3FAD] =	sst s1  }
0xa: {  	[smem:$0x3FAE] =	sst s2  }
0xb: {  	[smem:$0x3FAF] =	sst s3  }
0xc: {  	[smem:$0x3FB0] =	sst s4  }
0xd: {  	[smem:$0x3FB1] =	sst s5  }
0xe: {  	[smem:$0x3FB2] =	sst s6  }
0xf: {  	[smem:$0x3FB3] =	sst s7  }
0x10: {  	[smem:$0x3FB4] =	sst s8  }
0x11: {  	[smem:$0x3FB5] =	sst s9;
	s0 =	simm.s32 @!p0 $0x0  }
0x12: {  	s1 =	sld [smem:$0x3F9B];
	s0 =	simm.s32 @p0 $0x1  }
0x13: {  	[smem:$0x3FB6] =	sst s0;
	s0 =	simm.s32 @!p1 $0x0  }
0x14: {  	s2 =	sld [smem:$0x3F9A];
	s0 =	simm.s32 @p1 $0x1  }
0x15: {  	[smem:$0x3FB7] =	sst s0;
	s0 =	simm.s32 @!p2 $0x0  }
0x16: {  	s3 =	sld [smem:$0x3FDB];
	s0 =	simm.s32 @p2 $0x1  }
0x17: {  	s4 =	simm.s32 $0x1BF5;
	[smem:$0x3FB9] =	sst s0  }
0x18: {  	s0 =	sld [smem:$0x3F9C];
	_ =	swait.ge [sflag:s4], $0x0  }
0x19: {  	s7 =	sld [smem:$0x3F9D]  }
0x1a: {  	s8 =	sadd.s32 $0xFFFFE003, lr  }
0x1b: {  	s9 =	sadd.s32 $0xFFFFFEF7, lr;
	s5 =	simm.s32 $0xFFFFFFFF;
	p2 =	slt.u32 s8, $0xFFFFF086  }
0x1c: {  	p1 =	slt.u32 s9, $0xF7A;
	s5 =	simm.s32 @!p2 $0x0  }
0x1d: {  	s5 =	simm.s32 @p1 $0x1;
	p0 =	seq.s32 s7, s2  }
0x1e: {  	s7 =	smul.u32 @!p0 $0xF7A, s2;
	p2 =	seq.s32 @!p0 s5, $0x0  }
0x1f: {  	s9 =	smul.u32 $0xF7A, s1;
	s8 =	simm.s32 @!p0 $0x1BF5;
	p2 =	por !p2, p0  }
0x20: {  	[sflag:s8] =	ssyncset.s32 @!p0 $0xFFFFF086;
	s6 =	sadd.s32 @!p0 s3, s7;
	s7 =	simm.s32 @!p0 $0x108  }
0x21: {  	s3 =	sadd.s32 s3, s9;
	s6 =	sadd.s32 @!p0 $0x88, s6;
	s7 =	simm.s32 @p2 $0x1082  }
0x22: {  	[simem:s7], [sflag:s8] =	dma.local @!p0 [hbm:s6], $0xF7A  }
0x23: {  	s9 =	sor.u32 $0xD0000000, s2;
	s6 =	simm.s32 $0x108;
	_ =	swait.ge @!p0 [sflag:s8], $0x0  }
0x24: {  	s3 =	sadd.s32 $0x88, s3;
	s6 =	simm.s32 @!p1 $0x1082;
	[sflag:s4] =	ssyncset.s32 $0xFFFFF086  }
0x25: {  	[simem:s6], [sflag:s4] =	dma.local [hbm:s3], $0xF7A  }
0x26: {  	[smem:$0x3F9D] =	sst s1;
	(tag) =	ssettag s2;
	_ =	strace s9  }
0x27: {  	s1 =	sld [smem:$0x3FAD]  }
0x28: {  	s2 =	sld [smem:$0x3FAE]  }
0x29: {  	s4 =	sld [smem:$0x3FB0]  }
0x2a: {  	p0 =	seq.s32 s5, $0x0;
	s5 =	sld [smem:$0x3FB1]  }
0x2b: {  	s6 =	sld [smem:$0x3FB2]  }
0x2c: {  	s7 =	sld [smem:$0x3FB3]  }
0x2d: {  	s3 =	simm.s32 $0x108;
	s8 =	sld [smem:$0x3FB4]  }
0x2e: {  	s3 =	simm.s32 @!p0 $0x1082;
	s9 =	sld [smem:$0x3FB5]  }
0x2f: {  	lr =	sadd.s32 s0, s3;
	s0 =	sld [smem:$0x3FAC]  }
0x30: {  	s3 =	sld [smem:$0x3FAF]  }
0x31: {  	[smem:$0x3FB8] =	sst s10  }
0x32: {  	s10 =	sld [smem:$0x3FB6];
	_ =	sdelay $0x3  }
0x33: {  	p0 =	seq.s32 s10, $0x1;
	s10 =	sld [smem:$0x3FB8];
	_ =	sdelay $0x3  }
0x34: {  	[smem:$0x3FB8] =	sst s10  }
0x35: {  	s10 =	sld [smem:$0x3FB7];
	_ =	sdelay $0x3  }
0x36: {  	p1 =	seq.s32 s10, $0x1;
	s10 =	sld [smem:$0x3FB8];
	_ =	sdelay $0x3  }
0x37: {  	[smem:$0x3FB8] =	sst s10  }
0x38: {  	s10 =	sld [smem:$0x3FB9]  }
0x39: {  	_ = 	snop;
	(pc) =	sbr.ind lr, $3  }
0x3a: {  	_ = 	snop  }
0x3b: {  	_ = 	snop  }
0x3c: {  	p2 =	seq.s32 s10, $0x1;
	s10 =	sld [smem:$0x3FB8]  }
0x3d: {  	_ =	shalt  }
0x3e: {  	_ =	shalt  }
0x3f: {  	_ =	shalt  }
0x40: {  	_ =	shalt  }
0x41: {  	_ =	shalt  }
0x42: {  	_ =	shalt  }
0x43: {  	_ =	shalt  }
0x44: {  	_ =	shalt  }
0x45: {  	_ =	shalt  }
0x46: {  	_ =	shalt  }
0x47: {  	_ =	shalt  }
0x48: {  	_ =	shalt  }
0x49: {  	_ =	shalt  }
0x4a: {  	_ =	shalt  }
0x4b: {  	_ =	shalt  }
0x4c: {  	_ =	shalt  }
0x4d: {  	_ =	shalt  }
0x4e: {  	_ =	shalt  }
0x4f: {  	_ =	shalt  }
0x50: {  	_ =	shalt  }
0x51: {  	_ =	shalt  }
0x52: {  	_ =	shalt  }
0x53: {  	_ =	shalt  }
0x54: {  	_ =	shalt  }
0x55: {  	_ =	shalt  }
0x56: {  	_ =	shalt  }
0x57: {  	_ =	shalt  }
0x58: {  	_ =	shalt  }
0x59: {  	_ =	shalt  }
0x5a: {  	_ =	shalt  }
0x5b: {  	_ =	shalt  }
0x5c: {  	_ =	shalt  }
0x5d: {  	_ =	shalt  }
0x5e: {  	_ =	shalt  }
0x5f: {  	_ =	shalt  }
0x60: {  	_ =	shalt  }
0x61: {  	_ =	shalt  }
0x62: {  	_ =	shalt  }
0x63: {  	_ =	shalt  }
0x64: {  	_ =	shalt  }
0x65: {  	_ =	shalt  }
0x66: {  	_ =	shalt  }
0x67: {  	_ =	shalt  }
0x68: {  	_ =	shalt  }
0x69: {  	_ =	shalt  }
0x6a: {  	_ =	shalt  }
0x6b: {  	_ =	shalt  }
0x6c: {  	_ =	shalt  }
0x6d: {  	_ =	shalt  }
0x6e: {  	_ =	shalt  }
0x6f: {  	_ =	shalt  }
0x70: {  	_ =	shalt  }
0x71: {  	_ =	shalt  }
0x72: {  	_ =	shalt  }
0x73: {  	_ =	shalt  }
0x74: {  	_ =	shalt  }
0x75: {  	_ =	shalt  }
0x76: {  	_ =	shalt  }
0x77: {  	_ =	shalt  }
0x78: {  	_ =	shalt  }
0x79: {  	_ =	shalt  }
0x7a: {  	_ =	shalt  }
0x7b: {  	_ =	shalt  }
0x7c: {  	_ =	shalt  }
0x7d: {  	_ =	shalt  }
0x7e: {  	_ =	shalt  }
0x7f: {  	_ =	shalt  }
0x80: {  	_ =	shalt  }
0x81: {  	_ =	shalt  }
0x82: {  	_ =	shalt  }
0x83: {  	_ =	shalt  }
0x84: {  	_ =	shalt  }
0x85: {  	_ =	shalt  }
0x86: {  	_ =	shalt  }
0x87: {  	_ =	shalt  }
.Lfunc_end0:
.L_simem_size_0:
called_computation.2_lowered:
.L_overlay_start_0:
0x88: {  	s2 =	sld [smem:$0x3FD9]  }
0x89: {  	s3 =	sld [smem:$0x3FFE];
	_ =	sdelay $0x1  }
0x8a: {  	s1 =	srdreg.scid  }
0x8b: {  	s0 =	sand.u32 $0x1, s1  }
0x8c: {  	s17 =	sshll.u32 s0, $0xA;
	s2 =	sadd.s32 s3, s2  }
0x8d: {  	s2 =	sadd.s32 s2, s17  }
0x8e: {  	[smem:$0x3FC4] =	sst s2  }
0x8f: {  	_ = 	snop  }
0x90: {  	s2 =	sld [smem:$0x3FD0];
	(tm) =	ssettm $0x1  }
0x91: {  	s18 =	sld [smem:$0x3FFB];
	_ =	sdelay $0x3  }
0x92: {  	_ =	strace s18  }
0x93: {  	s3 =	sld [smem:$0x3FFC];
	_ =	sdelay $0x3  }
0x94: {  	_ =	strace s3  }
0x95: {  	s3 =	sld [smem:$0x3FFD];
	_ =	sdelay $0x3  }
0x96: {  	_ =	strace s3  }
0x97: {  	_ =	strace $0x8FFFFFFF  }
0x98: {  	s19 =	sld [smem:$0x3FDB];
	_ =	sdelay $0x1  }
0x99: {  	s4 =	simm.s32 $_scs_section_size  }
0x9a: {  	s5 =	simm.s32 $_size__tile_overlayer_lowered;
	s6 =	simm.s32 $_tile_overlayer_lowered  }
0x9b: {  	s22 =	simm.s32 $0x1BFF;
	s21 =	sshll.u32 s6, $0x1;
	s3 =	sadd.s32 s4, s19  }
0x9c: {  	s7 =	simm.s32 $0x0;
	s20 =	sshll.u32 s5, $0x1;
	s5 =	sadd.s32 s21, s3  }
0x9d: {  	[timem:s7], [sflag:s22] =	dma.local [hbm:s5], s20  }
0x9e: {  	_ =	swait.ge [sflag:s22], s20  }
0x9f: {  	s4 =	ssub.s32 $0x0, s20;
	[sflag:s22] =	ssyncset.done $0x0  }
0xa0: {  	[sflag:s22] =	ssyncadd.s32 s4;
	_ =	sdelay $0x1  }
0xa1: {  	s23 =	simm.s32 $0x1B8B  }
0xa2: {  	_ =	swait.ge [sflag:s23], $0x1  }
0xa3: {  	[sflag:s23] =	ssyncset.done $0x0  }
0xa4: {  	s25 =	simm.s32 $0x1B8E;
	s24 =	sld [smem:$0x3FFE];
	[sflag:s23] =	ssyncadd.s32 $0xFFFFFFFF  }
0xa5: {  	s26 =	simm.s32 $execute0_lowered;
	[smem:$0x3FD2] =	sst s25  }
0xa6: {  	s5 =	sshll.u32 s26, $0x1;
	_ =	strace $0x8000004C;
	[dreg:$0x1] =	wrdreg $0xFFFFFFFF  }
0xa7: {  	s28 =	simm.s32 $_size_execute0_lowered;
	s3 =	sadd.s32 s3, s5;
	[dreg:$0x0] =	wrdreg $0x0  }
0xa8: {  	s5 =	sshll.u32 s28, $0x1;
	[dreg:$0x2] =	wrdreg s3  }
0xa9: {  	[dreg:$0x3] =	wrdreg s5  }
0xaa: {  	[dreg:$0x4] =	wrdreg $0xC0  }
0xab: {  	_ =	task [dreg:s7], $0x5FFFF  }
0xac: {  	[dreg:$0x1] =	wrdreg $0xFFFFFFFF  }
0xad: {  	[dreg:$0x0] =	wrdreg $0x60  }
0xae: {  	[dreg:$0x2] =	wrdreg s24  }
0xaf: {  	[dreg:$0x3] =	wrdreg s2  }
0xb0: {  	[dreg:$0x4] =	wrdreg $0x74000  }
0xb1: {  	[dreg:$0x5] =	wrdreg $0x9  }
0xb2: {  	_ =	task.clear_ibuf [dreg:s7], $0x6FFFF;
	_ =	strace $0x9000004C  }
0xb3: {  	s29 =	simm.s32 $0x9;
	_ =	strace $0x8000004E  }
0xb4: {  	_ =	swait.ge [sflag:s29], $0x1  }
0xb5: {  	[sflag:s29] =	ssyncadd.s32 $0xFFFFFFFF  }
0xb6: {  	_ =	strace $0x9000004E  }
0xb7: {  	_ =	sfence  }
0xb8: {  	s30 =	sld [smem:$0x0];
	_ =	sdelay $0x2  }
0xb9: {  	s31 =	sshll.u32 s1, $0xD;
	s1 =	sshrl.u32 s1, $0x2  }
0xba: {  	s3 =	sand.u32 $0x4000, s31;
	s1 =	sadd.s32 s1, s30  }
0xbb: {  	s0 =	sor.u32 s3, s0;
	s1 =	sshll.u32 s1, $0x11  }
0xbc: {  	s0 =	sor.u32 s1, s0  }
0xbd: {  	s0 =	sadd.s32 $0x8F2B, s0  }
0xbe: {  	[sflag:s0] =	ssyncadd.remote.s32 $0x1  }
0xbf: {  	_ =	sfence.sel $0xFFFF  }
0xc0: {  	[dreg:$0x0] =	wrdreg $0xFFFFFFFF;
	(pc) =	sbr.abs _section_cstart, $3  }
0xc1: {  	[dreg:$0x1] =	wrdreg $0xFFFFFFFF  }
0xc2: {  	_ =	task.clear_ibuf [dreg:s7], $0x2FFFF;
	_ =	strace $0x9FFFFFFF  }
0xc3: {  	(tm) =	ssettm $0x7FFFFFFF  }
tec
execute0_lowered:
.L_overlay_start_1:
0x0: {  	(tag) =	ssettag $0x1  }
0x1: {  	s5 =	rddreg [dreg:$0x0]  }
0x2: {  	s9 =	rddreg [dreg:$0x1];
	s1 =	stileid.u32  }
0x3: {  	s4 =	srdreg.scid;
	s6 =	smul.u32 $0x42, s1  }
0x4: {  	s2 =	rddreg [dreg:$0x2];
	s7 =	sand.u32 $0x1, s4;
	s4 =	smul.u32 $0x5C, s1  }
0x5: {  	s0 =	rddreg [dreg:$0x3];
	s3 =	simm.s32 $0x0;
	s8 =	smul.u32 $0x7800, s1  }
0x6: {  	s17 =	simm.s32 $0x0;
	[smem:$0x7FF] =	sst s3;
	s10 =	smul.u32 $0xF00, s1  }
0x7: {  	s31 =	sshll.u32 s1, $0x6;
	p0 =	seq.s32 s7, $0x0;
	_ =	strace $0x8000004D  }
0x8: {  	s29 =	smul.u32 $0xF000, s7;
	s7 =	ssub.s32 $0x2, s7;
	s6 =	sadd.s32 $0x5C0, s6  }
0x9: {  	s13 =	sshrl.u32 s8, $0x3;
	s30 =	sshrl.u32 s7, $0x1;
	s16 =	sadd.s32 s8, s2  }
0xa: {  	s6 =	smov.u32 @p0 s4;
	s4 =	sadd.s32 $0x2400, s5;
	s13 =	sadd.s32 s13, s5  }
0xb: {  	s15 =	ssub.s32 s7, s30;
	s11 =	sshll.u32 s6, $0x4;
	s6 =	sadd.s32 s10, s29  }
0xc: {  	s7 =	sor.u32 $0x1C02, s31;
	s12 =	sadd.s32 s11, s5;
	s14 =	sadd.s32 s6, s5  }
0xd: {  	s5 =	sadd.s32 $0x20600, s13;
	s6 =	simm.s32 $0x5C;
	s9 =	sadd.s32 s9, s11  }
0xe: {  	s11 =	smax.u32 s15, $0x1;
	s13 =	simm.s32 $0x2;
	s15 =	simm.s32 $0x5C00  }
0xf: {  	s6 =	simm.s32 @!p0 $0x42;
	s8 =	sadd.s32 $0x16200, s12;
	s10 =	sadd.s32 $0x2F600, s14  }
0x10: {  	s12 =	sshrl.u32 s16, $0x3;
	s14 =	simm.s32 $0x80;
	s16 =	simm.s32 $0x1  }
.LBB2_1:
0x11: {  	[spmem:s12], [sflag:s7] =	dma.local [hbm:s5], $0xF00  }
0x12: {  	_ =	swait.ge [sflag:s13], $0xF00  }
0x13: {  	[sflag:s13] =	ssyncset.done $0x0  }
0x14: {  	s18 =	simm.s32 $0x2E00;
	[sflag:s13] =	ssyncadd.s32 $0xFFFFF100  }
0x15: {  	[tilespmem:s18], [sflag:$0x2] =	stream.linear.gather [hbm4b:s8+s3], $0x2E00, $0x38;
	[tilespmem:$0xEC00] =	vst v63  }
0x16: {  	_ =	swait.ge [sflag:s13], $0x2E00  }
0x17: {  	[sflag:s13] =	ssyncset.done $0x0  }
0x18: {  	[sflag:s13] =	ssyncadd.s32 $0xFFFFD200  }
0x19: {  	[tilespmem:s3], [sflag:$0x2] =	stream.linear.gather [hbm4b:s9+s3], $0x2E00, $0x38;
	[tilespmem:$0xEC00] =	vst v63  }
0x1a: {  	_ =	swait.ge [sflag:s13], $0x2E00  }
0x1b: {  	[sflag:s13] =	ssyncset.done $0x0  }
0x1c: {  	[sflag:s13] =	ssyncadd.s32 $0xFFFFD200  }
0x1d: {  	[bflag:$0x0] =	sbarrier.arrive $0xFFFF  }
0x1e: {  	[tilespmem:s15], [sflag:$0x1] =	stream.indirect.gather [hbm4b:s4+s14], $0x30, s3, s14, $0xb8;
	[tilespmem:$0xEC00] =	vst v63  }
0x1f: {  	p0 =	sne.s32 s6, $0x1;
	_ =	swait.ge [sflag:s16], $0x1800  }
.Ltmp0:
0x20: {  	[sflag:s16] =	ssyncset.done $0x0;
	(pc) =	sbr.rel @!p0 .LBB2_3-.Ltmp0, $4  }
0x21: {  	[sflag:s16] =	ssyncadd.s32 $0xFFFFE800  }
0x22: {  	[spmem:s2] =	stream.indirect.scatter.add.f32 [tilespmem:s15], [sflag:$0x2], $0x30, s18, s14, $0xb8;
	[tilespmem:$0xEC00] =	vst v63  }
0x23: {  	_ =	swait.ge [sflag:s13], $0x1800  }
0x24: {  	s19 =	sadd.s32 $0xFFFFFFFF, s6;
	s20 =	simm.s32 $0x0;
	[sflag:s13] =	ssyncset.done $0x0  }
.LBB2_2:
0x25: {  	[sflag:s13] =	ssyncadd.s32 $0xFFFFE800;
	s20 =	sadd.s32 $0x80, s20;
	s18 =	sadd.s32 $0x80, s18  }
0x26: {  	[tilespmem:s15], [sflag:$0x1] =	stream.indirect.gather [hbm4b:s4+s14], $0x30, s20, s14, $0xb8;
	[tilespmem:$0xEC00] =	vst v63  }
0x27: {  	p0 =	sne.s32 s19, $0x1;
	s19 =	sadd.s32 $0xFFFFFFFF, s19;
	_ =	swait.ge [sflag:s16], $0x1800  }
.Ltmp1:
0x28: {  	[sflag:s16] =	ssyncset.done $0x0;
	(pc) =	sbr.rel @p0 .LBB2_2-.Ltmp1, $4  }
0x29: {  	[sflag:s16] =	ssyncadd.s32 $0xFFFFE800  }
0x2a: {  	[spmem:s2] =	stream.indirect.scatter.add.f32 [tilespmem:s15], [sflag:$0x2], $0x30, s18, s14, $0xb8;
	[tilespmem:$0xEC00] =	vst v63  }
0x2b: {  	_ =	swait.ge [sflag:s13], $0x1800  }
0x2c: {  	[sflag:s13] =	ssyncset.done $0x0  }
.LBB2_3:
0x2d: {  	s17 =	sadd.s32 $0x1, s17  }
0x2e: {  	[sflag:s13] =	ssyncadd.s32 $0xFFFFE800;
	p0 =	sne.s32 s17, s11  }
.Ltmp2:
0x2f: {  	[bflag:$0x0] =	sbarrier.arrive $0xFFFF;
	(pc) =	sbr.rel @p0 .LBB2_1-.Ltmp2, $4  }
0x30: {  	[hbm:s10], [sflag:s7] =	dma.local [spmem:s12], $0xF00  }
0x31: {  	_ =	swait.ge [sflag:s13], $0xF00  }
0x32: {  	[sflag:s13] =	ssyncset.done $0x0  }
0x33: {  	[sflag:s13] =	ssyncadd.s32 $0xFFFFF100  }
0x34: {  	_ =	sfence.sel $0x180000  }
0x35: {  	[bflag:$0x0] =	sbarrier.arrive $0xFFFF  }
0x36: {  	p0 =	sne.s32 s1, $0x0;
	_ =	strace $0x9000004D  }
0x37: {  	s0 =	sadd.s32 @!p0 $0x100000, s0;
	[bflag:$0x2] =	sbarrier.arrive $0xFFFF  }
0x38: {  	[sflag:s0] =	ssyncadd.tile.s32 @!p0 $0x1;
	_ =	shalt  }
.Lfunc_end2:
_tile_overlayer_lowered:
.L_overlay_start_2:
0x39: {  	(tag) =	ssettag $0x2  }
0x3a: {  	s0 =	rddreg [dreg:$0x0];
	s2 =	stileid.u32  }
0x3b: {  	s1 =	rddreg [dreg:$0x1];
	p0 =	sne.s32 s2, $0x0  }
0x3c: {  	s3 =	rddreg [dreg:$0x2];
	[bflag:$0x3] =	sbarrier.arrive $0xFFFF;
	s2 =	simm.s32 @!p0 $0x1C02  }
0x3d: {  	[timem:s3], [sflag:s2] =	dma.local @!p0 [hbm:s0], s1  }
0x3e: {  	s0 =	simm.s32 @!p0 $0x2  }
0x3f: {  	_ =	swait.ge @!p0 [sflag:s0], s1  }
0x40: {  	s1 =	ssub.s32 @!p0 $0x0, s1;
	[sflag:s0] =	ssyncset.done @!p0 $0x0  }
0x41: {  	[sflag:s0] =	ssyncadd.s32 @!p0 s1  }
0x42: {  	[bflag:$0x3] =	sbarrier.arrive $0xFFFF  }
0x43: {  	_ =	shalt  }

// kernel: kernel.9.cloned.1.call-start
scs
__scs_entry_jumppad:
0x0: {  	(pc) =	sbr.rel $0x88, $3  }
0x1: {  	(tag) =	ssettag $0x0;
	lr =	simm.s32 $0x1  }
0x2: {  	[smem:$0x3F9D] =	sst lr;
	_ =	strace $0xD0000000  }
0x3: {  	_ = 	snop  }
0x4: {  	_ = 	snop  }
0x5: {  	_ = 	snop  }
0x6: {  	_ = 	snop  }
0x7: {  	_ = 	snop  }
__scs_overlays_trampoline_lowered:
0x8: {  	[smem:$0x3FAC] =	sst s0  }
0x9: {  	[smem:$0x3FAD] =	sst s1  }
0xa: {  	[smem:$0x3FAE] =	sst s2  }
0xb: {  	[smem:$0x3FAF] =	sst s3  }
0xc: {  	[smem:$0x3FB0] =	sst s4  }
0xd: {  	[smem:$0x3FB1] =	sst s5  }
0xe: {  	[smem:$0x3FB2] =	sst s6  }
0xf: {  	[smem:$0x3FB3] =	sst s7  }
0x10: {  	[smem:$0x3FB4] =	sst s8  }
0x11: {  	[smem:$0x3FB5] =	sst s9;
	s0 =	simm.s32 @!p0 $0x0  }
0x12: {  	s1 =	sld [smem:$0x3F9B];
	s0 =	simm.s32 @p0 $0x1  }
0x13: {  	[smem:$0x3FB6] =	sst s0;
	s0 =	simm.s32 @!p1 $0x0  }
0x14: {  	s2 =	sld [smem:$0x3F9A];
	s0 =	simm.s32 @p1 $0x1  }
0x15: {  	[smem:$0x3FB7] =	sst s0;
	s0 =	simm.s32 @!p2 $0x0  }
0x16: {  	s3 =	sld [smem:$0x3FDB];
	s0 =	simm.s32 @p2 $0x1  }
0x17: {  	s4 =	simm.s32 $0x1BF5;
	[smem:$0x3FB9] =	sst s0  }
0x18: {  	s0 =	sld [smem:$0x3F9C];
	_ =	swait.ge [sflag:s4], $0x0  }
0x19: {  	s7 =	sld [smem:$0x3F9D]  }
0x1a: {  	s8 =	sadd.s32 $0xFFFFE003, lr  }
0x1b: {  	s9 =	sadd.s32 $0xFFFFFEF7, lr;
	s5 =	simm.s32 $0xFFFFFFFF;
	p2 =	slt.u32 s8, $0xFFFFF086  }
0x1c: {  	p1 =	slt.u32 s9, $0xF7A;
	s5 =	simm.s32 @!p2 $0x0  }
0x1d: {  	s5 =	simm.s32 @p1 $0x1;
	p0 =	seq.s32 s7, s2  }
0x1e: {  	s7 =	smul.u32 @!p0 $0xF7A, s2;
	p2 =	seq.s32 @!p0 s5, $0x0  }
0x1f: {  	s9 =	smul.u32 $0xF7A, s1;
	s8 =	simm.s32 @!p0 $0x1BF5;
	p2 =	por !p2, p0  }
0x20: {  	[sflag:s8] =	ssyncset.s32 @!p0 $0xFFFFF086;
	s6 =	sadd.s32 @!p0 s3, s7;
	s7 =	simm.s32 @!p0 $0x108  }
0x21: {  	s3 =	sadd.s32 s3, s9;
	s6 =	sadd.s32 @!p0 $0x88, s6;
	s7 =	simm.s32 @p2 $0x1082  }
0x22: {  	[simem:s7], [sflag:s8] =	dma.local @!p0 [hbm:s6], $0xF7A  }
0x23: {  	s9 =	sor.u32 $0xD0000000, s2;
	s6 =	simm.s32 $0x108;
	_ =	swait.ge @!p0 [sflag:s8], $0x0  }
0x24: {  	s3 =	sadd.s32 $0x88, s3;
	s6 =	simm.s32 @!p1 $0x1082;
	[sflag:s4] =	ssyncset.s32 $0xFFFFF086  }
0x25: {  	[simem:s6], [sflag:s4] =	dma.local [hbm:s3], $0xF7A  }
0x26: {  	[smem:$0x3F9D] =	sst s1;
	(tag) =	ssettag s2;
	_ =	strace s9  }
0x27: {  	s1 =	sld [smem:$0x3FAD]  }
0x28: {  	s2 =	sld [smem:$0x3FAE]  }
0x29: {  	s4 =	sld [smem:$0x3FB0]  }
0x2a: {  	p0 =	seq.s32 s5, $0x0;
	s5 =	sld [smem:$0x3FB1]  }
0x2b: {  	s6 =	sld [smem:$0x3FB2]  }
0x2c: {  	s7 =	sld [smem:$0x3FB3]  }
0x2d: {  	s3 =	simm.s32 $0x108;
	s8 =	sld [smem:$0x3FB4]  }
0x2e: {  	s3 =	simm.s32 @!p0 $0x1082;
	s9 =	sld [smem:$0x3FB5]  }
0x2f: {  	lr =	sadd.s32 s0, s3;
	s0 =	sld [smem:$0x3FAC]  }
0x30: {  	s3 =	sld [smem:$0x3FAF]  }
0x31: {  	[smem:$0x3FB8] =	sst s10  }
0x32: {  	s10 =	sld [smem:$0x3FB6];
	_ =	sdelay $0x3  }
0x33: {  	p0 =	seq.s32 s10, $0x1;
	s10 =	sld [smem:$0x3FB8];
	_ =	sdelay $0x3  }
0x34: {  	[smem:$0x3FB8] =	sst s10  }
0x35: {  	s10 =	sld [smem:$0x3FB7];
	_ =	sdelay $0x3  }
0x36: {  	p1 =	seq.s32 s10, $0x1;
	s10 =	sld [smem:$0x3FB8];
	_ =	sdelay $0x3  }
0x37: {  	[smem:$0x3FB8] =	sst s10  }
0x38: {  	s10 =	sld [smem:$0x3FB9]  }
0x39: {  	_ = 	snop;
	(pc) =	sbr.ind lr, $3  }
0x3a: {  	_ = 	snop  }
0x3b: {  	_ = 	snop  }
0x3c: {  	p2 =	seq.s32 s10, $0x1;
	s10 =	sld [smem:$0x3FB8]  }
0x3d: {  	_ =	shalt  }
0x3e: {  	_ =	shalt  }
0x3f: {  	_ =	shalt  }
0x40: {  	_ =	shalt  }
0x41: {  	_ =	shalt  }
0x42: {  	_ =	shalt  }
0x43: {  	_ =	shalt  }
0x44: {  	_ =	shalt  }
0x45: {  	_ =	shalt  }
0x46: {  	_ =	shalt  }
0x47: {  	_ =	shalt  }
0x48: {  	_ =	shalt  }
0x49: {  	_ =	shalt  }
0x4a: {  	_ =	shalt  }
0x4b: {  	_ =	shalt  }
0x4c: {  	_ =	shalt  }
0x4d: {  	_ =	shalt  }
0x4e: {  	_ =	shalt  }
0x4f: {  	_ =	shalt  }
0x50: {  	_ =	shalt  }
0x51: {  	_ =	shalt  }
0x52: {  	_ =	shalt  }
0x53: {  	_ =	shalt  }
0x54: {  	_ =	shalt  }
0x55: {  	_ =	shalt  }
0x56: {  	_ =	shalt  }
0x57: {  	_ =	shalt  }
0x58: {  	_ =	shalt  }
0x59: {  	_ =	shalt  }
0x5a: {  	_ =	shalt  }
0x5b: {  	_ =	shalt  }
0x5c: {  	_ =	shalt  }
0x5d: {  	_ =	shalt  }
0x5e: {  	_ =	shalt  }
0x5f: {  	_ =	shalt  }
0x60: {  	_ =	shalt  }
0x61: {  	_ =	shalt  }
0x62: {  	_ =	shalt  }
0x63: {  	_ =	shalt  }
0x64: {  	_ =	shalt  }
0x65: {  	_ =	shalt  }
0x66: {  	_ =	shalt  }
0x67: {  	_ =	shalt  }
0x68: {  	_ =	shalt  }
0x69: {  	_ =	shalt  }
0x6a: {  	_ =	shalt  }
0x6b: {  	_ =	shalt  }
0x6c: {  	_ =	shalt  }
0x6d: {  	_ =	shalt  }
0x6e: {  	_ =	shalt  }
0x6f: {  	_ =	shalt  }
0x70: {  	_ =	shalt  }
0x71: {  	_ =	shalt  }
0x72: {  	_ =	shalt  }
0x73: {  	_ =	shalt  }
0x74: {  	_ =	shalt  }
0x75: {  	_ =	shalt  }
0x76: {  	_ =	shalt  }
0x77: {  	_ =	shalt  }
0x78: {  	_ =	shalt  }
0x79: {  	_ =	shalt  }
0x7a: {  	_ =	shalt  }
0x7b: {  	_ =	shalt  }
0x7c: {  	_ =	shalt  }
0x7d: {  	_ =	shalt  }
0x7e: {  	_ =	shalt  }
0x7f: {  	_ =	shalt  }
0x80: {  	_ =	shalt  }
0x81: {  	_ =	shalt  }
0x82: {  	_ =	shalt  }
0x83: {  	_ =	shalt  }
0x84: {  	_ =	shalt  }
0x85: {  	_ =	shalt  }
0x86: {  	_ =	shalt  }
0x87: {  	_ =	shalt  }
.Lfunc_end0:
.L_simem_size_0:
called_computation_lowered:
.L_overlay_start_0:
0x88: {  	s2 =	sld [smem:$0x3FD9]  }
0x89: {  	s3 =	sld [smem:$0x3FFE];
	_ =	sdelay $0x1  }
0x8a: {  	s1 =	srdreg.scid  }
0x8b: {  	s0 =	sand.u32 $0x1, s1  }
0x8c: {  	s16 =	sshll.u32 s0, $0xA;
	s2 =	sadd.s32 s3, s2  }
0x8d: {  	s2 =	sadd.s32 s2, s16  }
0x8e: {  	[smem:$0x3FC4] =	sst s2  }
0x8f: {  	_ = 	snop  }
0x90: {  	(tm) =	ssettm $0x1  }
0x91: {  	s17 =	sld [smem:$0x3FFB];
	_ =	sdelay $0x3  }
0x92: {  	_ =	strace s17  }
0x93: {  	s2 =	sld [smem:$0x3FFC];
	_ =	sdelay $0x3  }
0x94: {  	_ =	strace s2  }
0x95: {  	s2 =	sld [smem:$0x3FFD];
	_ =	sdelay $0x3  }
0x96: {  	_ =	strace s2  }
0x97: {  	_ =	strace $0x8FFFFFFF  }
0x98: {  	s18 =	sld [smem:$0x3FDB];
	_ =	sdelay $0x1  }
0x99: {  	s19 =	simm.s32 $_scs_section_size  }
0x9a: {  	s4 =	simm.s32 $_size__tile_overlayer_lowered;
	s5 =	simm.s32 $_tile_overlayer_lowered  }
0x9b: {  	s22 =	simm.s32 $0x1BFF;
	s21 =	sshll.u32 s5, $0x1;
	s2 =	sadd.s32 s19, s18  }
0x9c: {  	s6 =	simm.s32 $0x0;
	s20 =	sshll.u32 s4, $0x1;
	s4 =	sadd.s32 s21, s2  }
0x9d: {  	[timem:s6], [sflag:s22] =	dma.local [hbm:s4], s20  }
0x9e: {  	_ =	swait.ge [sflag:s22], s20  }
0x9f: {  	s3 =	ssub.s32 $0x0, s20;
	[sflag:s22] =	ssyncset.done $0x0  }
0xa0: {  	[sflag:s22] =	ssyncadd.s32 s3;
	_ =	sdelay $0x1  }
0xa1: {  	s23 =	simm.s32 $0x1B8B  }
0xa2: {  	_ =	swait.ge [sflag:s23], $0x1  }
0xa3: {  	[sflag:s23] =	ssyncset.done $0x0  }
0xa4: {  	s25 =	simm.s32 $0x1B8E;
	s24 =	sld [smem:$0x3FFE];
	[sflag:s23] =	ssyncadd.s32 $0xFFFFFFFF  }
0xa5: {  	s26 =	simm.s32 $execute0_lowered;
	[smem:$0x3FD2] =	sst s25  }
0xa6: {  	s4 =	sshll.u32 s26, $0x1;
	_ =	strace $0x80000046;
	[dreg:$0x1] =	wrdreg $0xFFFFFFFF  }
0xa7: {  	s28 =	simm.s32 $_size_execute0_lowered;
	s2 =	sadd.s32 s2, s4;
	[dreg:$0x0] =	wrdreg $0x0  }
0xa8: {  	s4 =	sshll.u32 s28, $0x1;
	[dreg:$0x2] =	wrdreg s2  }
0xa9: {  	[dreg:$0x3] =	wrdreg s4  }
0xaa: {  	[dreg:$0x4] =	wrdreg $0xC0  }
0xab: {  	_ =	task [dreg:s6], $0x5FFFF  }
0xac: {  	[dreg:$0x1] =	wrdreg $0xFFFFFFFF  }
0xad: {  	[dreg:$0x0] =	wrdreg $0x60  }
0xae: {  	[dreg:$0x2] =	wrdreg s24  }
0xaf: {  	[dreg:$0x3] =	wrdreg $0x9  }
0xb0: {  	_ =	task.clear_ibuf [dreg:s6], $0x4FFFF;
	_ =	strace $0x90000046  }
0xb1: {  	s29 =	simm.s32 $0x9;
	_ =	strace $0x80000048  }
0xb2: {  	_ =	swait.ge [sflag:s29], $0x1  }
0xb3: {  	[sflag:s29] =	ssyncadd.s32 $0xFFFFFFFF  }
0xb4: {  	_ =	strace $0x90000048  }
0xb5: {  	_ =	sfence  }
0xb6: {  	s30 =	sld [smem:$0x0];
	_ =	sdelay $0x2  }
0xb7: {  	s31 =	sshll.u32 s1, $0xD;
	s1 =	sshrl.u32 s1, $0x2  }
0xb8: {  	s3 =	sand.u32 $0x4000, s31;
	s1 =	sadd.s32 s1, s30  }
0xb9: {  	s0 =	sor.u32 s3, s0;
	s1 =	sshll.u32 s1, $0x11  }
0xba: {  	s0 =	sor.u32 s1, s0  }
0xbb: {  	s0 =	sadd.s32 $0x8F2B, s0  }
0xbc: {  	[sflag:s0] =	ssyncadd.remote.s32 $0x1  }
0xbd: {  	_ =	sfence.sel $0xFFFF  }
0xbe: {  	[dreg:$0x0] =	wrdreg $0xFFFFFFFF;
	(pc) =	sbr.abs _section_cstart, $3  }
0xbf: {  	[dreg:$0x1] =	wrdreg $0xFFFFFFFF  }
0xc0: {  	_ =	task.clear_ibuf [dreg:s6], $0x2FFFF;
	_ =	strace $0x9FFFFFFF  }
0xc1: {  	(tm) =	ssettm $0x7FFFFFFF  }
tec
execute0_lowered:
.L_overlay_start_1:
0x0: {  	(tag) =	ssettag $0x1  }
0x1: {  	s1 =	srdreg.scid  }
0x2: {  	s0 =	stileid.u32;
	s5 =	rddreg [dreg:$0x0]  }
0x3: {  	s2 =	simm.s32 $0x0;
	s8 =	simm.s32 $0x80;
	s9 =	simm.s32 $0x400  }
0x4: {  	s10 =	simm.s32 $0x0;
	s3 =	sand.u32 $0x1, s1;
	s29 =	sshll.u32 s0, $0x1  }
0x5: {  	s30 =	sshrl.u32 s0, $0x2;
	s1 =	rddreg [dreg:$0x1];
	s4 =	sor.u32 s3, s29  }
0x6: {  	[smem:$0x7FF] =	sst s2;
	s6 =	smul.u32 $0x14000, s30;
	s7 =	sshll.u32 s4, $0x7  }
0x7: {  	s3 =	ssub.s32 $0x2, s3;
	s4 =	smul.u32 $0x4E2, s4;
	s7 =	sand.u32 $0x380, s7  }
0x8: {  	_ =	strace $0x80000047;
	s31 =	sshrl.u32 s3, $0x1;
	s6 =	sor.u32 s6, s7  }
0x9: {  	s4 =	sadd.s32 s4, s5;
	s7 =	simm.s32 $0x2780;
	s6 =	sshrl.u32 s6, $0x3  }
0xa: {  	s5 =	sadd.s32 s6, s5;
	s6 =	ssub.s32 s3, s31;
	s3 =	sadd.s32 $0x2400, s4  }
0xb: {  	v0 =	vimm.f32 $0.0e+00;
	v1 =	vimm.f32 $1.000000000e+00;
	s4 =	sadd.s32 $0xC200, s5;
	s5 =	smax.u32 s6, $0x1;
	s6 =	simm.s32 $0x1  }
.LBB2_1:
0xc: {  	[tilespmem:s2], [sflag:$0x1] =	stream.linear.gather [hbm4b:s3+s2], $0x2710, $0x38;
	[tilespmem:$0x4F80] =	vst v63  }
0xd: {  	_ =	swait.ge [sflag:s6], $0x2710  }
0xe: {  	[sflag:s6] =	ssyncset.done $0x0  }
0xf: {  	s11 =	simm.s32 $0x0;
	[sflag:s6] =	ssyncadd.s32 $0xFFFFD8F0  }
.LBB2_2:
0x10: {  	p0 =	sne.s32 s11, $0x9FC0  }
.Ltmp0:
0x11: {  	_ = 	snop;
	(pc) =	sbr.rel @p0 .LBB2_2-.Ltmp0, $3  }
0x12: {  	_ =	sdelay $0x1  }
0x13: {  	s12 =	sshra.s32 s11, $0x2  }
0x14: {  	s11 =	sadd.s32 $0x40, s11;
	[tilespmem:s12+$0x2780] =	vst v0  }
0x15: {  	s12 =	simm.s32 $0x0;
	s11 =	simm.s32 $0x40  }
.LBB2_4:
0x16: {  	p0 =	sne.s32 s11, $0x9C00;
	v2 =	vld [tilespmem:s12+$0x0];
	_ =	sdelay $0x3  }
.Ltmp1:
0x17: {  	(pc) =	sbr.rel @p0 .LBB2_4-.Ltmp1, $2  }
0x18: {  	_ =	sdelay $0x2  }
0x19: {  	s12 =	sshra.s32 s11, $0x2;
	s11 =	sadd.s32 $0x40, s11;
	[tilespmem:v2+s7+$0x0] =	vst.idx.add.f32.msk $0xffff, v1  }
0x1a: {  	v2 =	vld [tilespmem:s12+$0x0];
	_ =	sdelay $0x5  }
0x1b: {  	s10 =	sadd.s32 $0x1, s10  }
0x1c: {  	p0 =	sne.s32 s10, s5  }
.Ltmp2:
0x1d: {  	[tilespmem:v2+s7+$0x0] =	vst.idx.add.f32.msk $0xffff, v1;
	(pc) =	sbr.rel @p0 .LBB2_1-.Ltmp2, $4  }
0x1e: {  	[hbm4b:s4+s8] =	stream.strided.scatter [tilespmem:s7], [sflag:$0x1], $0x2800, s9, s8, $0x38;
	[tilespmem:$0x4F80] =	vst v63  }
0x1f: {  	_ =	swait.ge [sflag:s6], $0x2800  }
0x20: {  	[sflag:s6] =	ssyncset.done $0x0  }
0x21: {  	[sflag:s6] =	ssyncadd.s32 $0xFFFFD800  }
0x22: {  	_ =	sfence.sel $0x180000  }
0x23: {  	[bflag:$0x0] =	sbarrier.arrive $0xFFFF  }
0x24: {  	p0 =	sne.s32 s0, $0x0;
	_ =	strace $0x90000047  }
0x25: {  	s0 =	sadd.s32 @!p0 $0x100000, s1;
	[bflag:$0x2] =	sbarrier.arrive $0xFFFF  }
0x26: {  	[sflag:s0] =	ssyncadd.tile.s32 @!p0 $0x1;
	_ =	shalt  }
.Lfunc_end2:
_tile_overlayer_lowered:
.L_overlay_start_2:
0x27: {  	(tag) =	ssettag $0x2  }
0x28: {  	s0 =	rddreg [dreg:$0x0];
	s2 =	stileid.u32  }
0x29: {  	s1 =	rddreg [dreg:$0x1];
	p0 =	sne.s32 s2, $0x0  }
0x2a: {  	s3 =	rddreg [dreg:$0x2];
	[bflag:$0x3] =	sbarrier.arrive $0xFFFF;
	s2 =	simm.s32 @!p0 $0x1C01  }
0x2b: {  	[timem:s3], [sflag:s2] =	dma.local @!p0 [hbm:s0], s1  }
0x2c: {  	s0 =	simm.s32 @!p0 $0x1  }
0x2d: {  	_ =	swait.ge @!p0 [sflag:s0], s1  }
0x2e: {  	s1 =	ssub.s32 @!p0 $0x0, s1;
	[sflag:s0] =	ssyncset.done @!p0 $0x0  }
0x2f: {  	[sflag:s0] =	ssyncadd.s32 @!p0 s1  }
0x30: {  	[bflag:$0x3] =	sbarrier.arrive $0xFFFF  }
0x31: {  	_ =	shalt  }

</sc_bundles>
